<compile_context>
chip_gen: v7x
topology: tpu7x:2x2x1
jax: 0.10.2.dev20260603
libtpu: 0.0.44.dev20260713+nightly
codegen_flags: <defaults>
</compile_context>

<pallas_src>
import functools

import jax
import jax.numpy as jnp
from jax import lax
from jax.experimental import pallas as pl
from jax.experimental.pallas import tpu as pltpu
from jax.experimental.pallas import tpu_sc as plsc

B = 16384
D = 64
YD = 16
KG = 20
KT = 50
NC = 2
NS = 16
NW = NC * NS
R = B // NW
C = 32
CM = 512


def _sc_pool(genre_table, tag_table, g_flat, t_flat, dstg, dstt, zer):
    mesh = plsc.VectorSubcoreMesh(core_axis_name="c", subcore_axis_name="s")
    f32 = jnp.float32

    @functools.partial(
        pl.kernel,
        out_type=[
            jax.ShapeDtypeStruct((B, D), f32),
            jax.ShapeDtypeStruct((B, D), f32),
        ],
        mesh=mesh,
        scratch_types=[
            pltpu.VMEM((C * KT, D), f32),
            pltpu.VMEM_SHARED((NS, C, D), f32),
            pltpu.VMEM_SHARED((NS, C, D), f32),
            pltpu.VMEM_SHARED((1000, D), f32),
            pltpu.VMEM((C, D), f32),
            pltpu.VMEM((C * KG,), jnp.int32),
            pltpu.VMEM((C * KT,), jnp.int32),
            pltpu.VMEM((C * KG,), jnp.int32),
            pltpu.VMEM((C * KT,), jnp.int32),
        ],
        compiler_params=pltpu.CompilerParams(use_tc_tiling_on_sc=False),
    )
    def k(gt_hbm, tt_hbm, gid_hbm, tid_hbm, dstg_hbm, dstt_hbm, zer_hbm,
          g_out, t_out,
          buf, accg, acct, gt_spm, zeros_v, gidx, tidx, dstg_v, dstt_v):
        sid = lax.axis_index("s")
        wid = sid * NC + lax.axis_index("c")
        base0 = wid * R
        my_accg = accg.at[sid]
        my_acct = acct.at[sid]
        pltpu.sync_copy(dstg_hbm, dstg_v)
        pltpu.sync_copy(dstt_hbm, dstt_v)
        pltpu.sync_copy(zer_hbm, zeros_v)
        pltpu.sync_copy(gt_hbm, gt_spm)

        @pl.loop(0, R, step=C)
        def _(c0):
            base = base0 + c0
            pltpu.sync_copy(gid_hbm.at[pl.ds(base * KG, C * KG)], gidx)
            pltpu.sync_copy(tid_hbm.at[pl.ds(base * KT, C * KT)], tidx)
            pltpu.sync_copy(zeros_v, my_accg)
            pltpu.sync_copy(gt_spm.at[gidx], buf.at[pl.ds(0, C * KG)])
            pltpu.sync_copy(buf.at[pl.ds(0, C * KG)], my_accg.at[dstg_v], add=True)
            pltpu.sync_copy(my_accg, g_out.at[pl.ds(base, C)])
            pltpu.sync_copy(zeros_v, my_acct)
            pltpu.sync_copy(tt_hbm.at[tidx], buf)
            pltpu.sync_copy(buf, my_acct.at[dstt_v], add=True)
            pltpu.sync_copy(my_acct, t_out.at[pl.ds(base, C)])

    return k(genre_table, tag_table, g_flat, t_flat, dstg, dstt, zer)


def _sc_rows(movie_pad, year_pad, mid, yid):
    mesh = plsc.VectorSubcoreMesh(core_axis_name="c", subcore_axis_name="s")
    f32 = jnp.float32

    @functools.partial(
        pl.kernel,
        out_type=[
            jax.ShapeDtypeStruct((B, 128), f32),
            jax.ShapeDtypeStruct((B, 128), f32),
        ],
        mesh=mesh,
        scratch_types=[
            pltpu.VMEM((CM, 128), f32),
            pltpu.VMEM((CM,), jnp.int32),
            pltpu.VMEM((CM,), jnp.int32),
        ],
        compiler_params=pltpu.CompilerParams(use_tc_tiling_on_sc=True),
    )
    def k(mt_hbm, yt_hbm, mid_hbm, yid_hbm, m_out, y_out, buf, midx, yidx):
        wid = lax.axis_index("s") * NC + lax.axis_index("c")
        base0 = wid * R

        @pl.loop(0, R, step=CM)
        def _(c0):
            base = base0 + c0
            pltpu.sync_copy(mid_hbm.at[pl.ds(base, CM)], midx)
            pltpu.sync_copy(mt_hbm.at[midx], buf)
            pltpu.sync_copy(buf, m_out.at[pl.ds(base, CM)])
            pltpu.sync_copy(yid_hbm.at[pl.ds(base, CM)], yidx)
            pltpu.sync_copy(yt_hbm.at[yidx], buf)
            pltpu.sync_copy(buf, y_out.at[pl.ds(base, CM)])

    return k(movie_pad, year_pad, mid, yid)


def _mlp_body(m_ref, gs_ref, y_ref, ts_ref, gi_ref, ti_ref, par_ref,
              W1_ref, b1_ref, W2_ref, b2_ref, W3_ref, b3_ref, o_ref):
    f32 = jnp.float32
    gcnt = jnp.sum((gi_ref[...] != 0).astype(f32), axis=1, keepdims=True)
    tcnt = jnp.sum((ti_ref[...] != 0).astype(f32), axis=1, keepdims=True)
    g = gs_ref[...] / jnp.clip(gcnt, 1e-9, None)
    t = ts_ref[...] / jnp.clip(tcnt, 1e-9, None)
    W1 = W1_ref[...]
    m128 = m_ref[...]
    m = jnp.where(par_ref[...] > 0.5, m128[:, D:2 * D], m128[:, 0:D])
    x = (jnp.dot(m, W1[0:D], preferred_element_type=f32)
         + jnp.dot(g, W1[D:2 * D], preferred_element_type=f32)
         + jnp.dot(y_ref[:, :YD], W1[2 * D:2 * D + YD],
                   preferred_element_type=f32)
         + jnp.dot(t, W1[2 * D + YD:], preferred_element_type=f32)
         + b1_ref[...])
    x = jnp.maximum(x, 0.0)
    h = jnp.maximum(jnp.dot(x, W2_ref[...], preferred_element_type=f32)
                    + b2_ref[...], 0.0)
    o_ref[...] = jnp.dot(h, W3_ref[...], preferred_element_type=f32) + b3_ref[...]


def _mlp(m_e, g_s, y_e, t_s, gidx, tidx, par, W1, b1, W2, b2, W3, b3):
    BT = 2048
    grid = (B // BT,)

    def rows(shape):
        return pl.BlockSpec((BT,) + shape[1:], lambda i: (i,) + (0,) * (len(shape) - 1))

    def whole(shape):
        return pl.BlockSpec(shape, lambda i: (0,) * len(shape))

    return pl.pallas_call(
        _mlp_body,
        grid=grid,
        in_specs=[
            rows((B, 128)), rows((B, D)), rows((B, 128)), rows((B, D)),
            rows((B, KG)), rows((B, KT)), rows((B, 1)),
            whole(W1.shape), whole(b1.shape), whole(W2.shape),
            whole(b2.shape), whole(W3.shape), whole(b3.shape),
        ],
        out_specs=rows((B, D)),
        out_shape=jax.ShapeDtypeStruct((B, D), jnp.float32),
    )(m_e, g_s, y_e, t_s, gidx, tidx, par, W1, b1, W2, b2, W3, b3)


def kernel(movie_id, padded_genre_indices, year_idx, padded_tag_indices,
           movie_table, genre_table, tag_table, year_table,
           W1, b1, W2, b2, W3, b3):
    mid = movie_id.astype(jnp.int32)
    yid = year_idx.astype(jnp.int32)
    gidx = padded_genre_indices.astype(jnp.int32)
    tidx = padded_tag_indices.astype(jnp.int32)
    g_flat = gidx.reshape(-1)
    t_flat = tidx.reshape(-1)
    dstg = jnp.arange(C * KG, dtype=jnp.int32) // KG
    dstt = jnp.arange(C * KT, dtype=jnp.int32) // KT
    zer = jnp.zeros((C, D), jnp.float32)
    movie2 = movie_table.reshape(movie_table.shape[0] // 2, 2 * D)
    year_pad = jnp.pad(year_table, ((0, 0), (0, 128 - YD)))
    par = (mid % 2).astype(jnp.float32).reshape(B, 1)
    g_s, t_s = _sc_pool(genre_table, tag_table, g_flat, t_flat, dstg, dstt, zer)
    m_e, y_e = _sc_rows(movie2, year_pad, mid // 2, yid)
    return _mlp(m_e, g_s, y_e, t_s, gidx, tidx, par,
                W1, b1.reshape(1, -1), W2, b2.reshape(1, -1),
                W3, b3.reshape(1, -1))

# --- scband reference (transcript-rebuilt; emitter-appended) ---
"""Pipeline reference for scband-movie-tower-39290360824596 (READ-ONLY COPY).

The authoritative reference and input builder live on the scoring server;
editing this copy changes nothing except your own understanding.
"""

import jax, jax.numpy as jnp
import numpy as np

B = 16384
NUM_MOVIES = 1000000
NUM_GENRES = 1000
NUM_TAGS = 100000
NUM_YEARS = 1000
D = 64
YD = 16
H = 128


def setup_inputs(seed: int = 0) -> dict:
    key = jax.random.key(seed)
    ks = jax.random.split(key, 12)
    movie_id = jax.random.randint(ks[0], (B,), 0, NUM_MOVIES)
    padded_genre_indices = jax.random.randint(ks[1], (B, 20), 0, NUM_GENRES)
    year_idx = jax.random.randint(ks[2], (B,), 0, NUM_YEARS)
    padded_tag_indices = jax.random.randint(ks[3], (B, 50), 0, NUM_TAGS)
    movie_table = (jax.random.normal(ks[4], (NUM_MOVIES, D), dtype=jnp.float32) * 0.02)
    genre_table = (jax.random.normal(ks[5], (NUM_GENRES, D), dtype=jnp.float32) * 0.02).at[0].set(0.0)
    tag_table = (jax.random.normal(ks[6], (NUM_TAGS, D), dtype=jnp.float32) * 0.02).at[0].set(0.0)
    year_table = (jax.random.normal(ks[7], (NUM_YEARS, YD), dtype=jnp.float32) * 0.02).at[0].set(0.0)
    comb = D + D + YD + D  # 208
    W1 = jax.random.normal(ks[8], (comb, H), dtype=jnp.float32) * 0.05
    b1 = jnp.zeros((H,), jnp.float32)
    W2 = jax.random.normal(ks[9], (H, H // 2), dtype=jnp.float32) * 0.05
    b2 = jnp.zeros((H // 2,), jnp.float32)
    W3 = jax.random.normal(ks[10], (H // 2, D), dtype=jnp.float32) * 0.05
    b3 = jnp.zeros((D,), jnp.float32)
    return {
        'movie_id': movie_id,
        'padded_genre_indices': padded_genre_indices,
        'year_idx': year_idx,
        'padded_tag_indices': padded_tag_indices,
        'movie_table': movie_table,
        'genre_table': genre_table,
        'tag_table': tag_table,
        'year_table': year_table,
        'W1': W1, 'b1': b1, 'W2': W2, 'b2': b2, 'W3': W3, 'b3': b3,
    }


def reference(movie_id, padded_genre_indices, year_idx, padded_tag_indices,
              movie_table, genre_table, tag_table, year_table,
              W1, b1, W2, b2, W3, b3):
    m_embed = jnp.take(movie_table, movie_id, axis=0)
    y_embed = jnp.take(year_table, year_idx, axis=0)
    genre_embeds_all = jnp.take(genre_table, padded_genre_indices, axis=0)
    genre_mask = (padded_genre_indices != 0).astype(jnp.float32)[..., None]
    genre_masked = genre_embeds_all * genre_mask
    g_embed = jnp.sum(genre_masked, axis=1) / jnp.clip(jnp.sum(genre_mask, axis=1), 1e-9, None)
    tag_embeds_all = jnp.take(tag_table, padded_tag_indices, axis=0)
    tag_mask = (padded_tag_indices != 0).astype(jnp.float32)[..., None]
    tag_masked = tag_embeds_all * tag_mask
    mt_embed = jnp.sum(tag_masked, axis=1) / jnp.clip(jnp.sum(tag_mask, axis=1), 1e-9, None)
    combined = jnp.concatenate([m_embed, g_embed, y_embed, mt_embed], axis=1)
    x = jax.nn.relu(combined @ W1 + b1)
    x = jax.nn.relu(x @ W2 + b2)
    return x @ W3 + b3

if __name__ == "__main__":
    import jax
    _d = setup_inputs()
    print(jax.jit(kernel)(*tuple(_d.values())))

</pallas_src>

<mosaic_0001>
#map = affine_map<(d0, d1) -> (0, 0)>
#map1 = affine_map<(d0, d1) -> (0)>
module attributes {stable_mosaic.version = 14 : i64} {
  func.func @k(%arg0: i32, %arg1: i32, %arg2: memref<500000x128xf32, #tpu.memory_space<hbm>>, %arg3: memref<1000x128xf32, #tpu.memory_space<hbm>>, %arg4: memref<16384xi32, #tpu.memory_space<hbm>>, %arg5: memref<16384xi32, #tpu.memory_space<hbm>>, %arg6: memref<16384x128xf32, #tpu.memory_space<hbm>>, %arg7: memref<16384x128xf32, #tpu.memory_space<hbm>>, %arg8: memref<512x128xf32, #tpu.memory_space<vmem>>, %arg9: memref<512xi32, #tpu.memory_space<vmem>>, %arg10: memref<512xi32, #tpu.memory_space<vmem>>) attributes {dimension_semantics = [#tpu.dimension_semantics<core_parallel>, #tpu.dimension_semantics<subcore_parallel>], iteration_bounds = array<i64: 2, 16>, scalar_prefetch = 0 : i64, scratch_operands = 3 : i64, tpu.core_type = #tpu.core_type<sc_vector_subcore>, window_params = [{transform_indices = #map}, {transform_indices = #map}, {transform_indices = #map1}, {transform_indices = #map1}, {transform_indices = #map}, {transform_indices = #map}]} {
    %mul3A = arith.constant 2 : i32
    %mul3A_0 = arith.muli %arg1, %mul3A : i32
    %add3A = arith.addi %mul3A_0, %arg0 : i32
    %mul3A_1 = arith.constant 512 : i32
    %mul3A_2 = arith.muli %add3A, %mul3A_1 : i32
    %scan3A = arith.constant 0 : i32
    %mul3A_3 = arith.constant 512 : i32
    %mul3A_4 = arith.muli %scan3A, %mul3A_3 : i32
    %add3A_5 = arith.constant 0 : i32
    %add3A_6 = arith.addi %add3A_5, %mul3A_4 : i32
    %add3A_7 = arith.addi %mul3A_2, %add3A_6 : i32
    "tpu.region"() ({
      %run_scoped3A = tpu.sem_alloc : memref<!tpu.dma_semaphore, #tpu.memory_space<semaphore_mem>>
      %dma_start3A = tpu.memref_slice %arg4[%add3A_7] : memref<16384xi32, #tpu.memory_space<hbm>> -> memref<512xi32, #tpu.memory_space<hbm>>
      %dma_start3A_9 = tpu.memref_slice %arg4[%add3A_7] : memref<16384xi32, #tpu.memory_space<hbm>> -> memref<512xi32, #tpu.memory_space<hbm>>
      tpu.enqueue_dma source(%dma_start3A_9 : memref<512xi32, #tpu.memory_space<hbm>>) target(%arg9 : memref<512xi32, #tpu.memory_space<vmem>>) target_semaphore(%run_scoped3A : memref<!tpu.dma_semaphore, #tpu.memory_space<semaphore_mem>>)
      %dma_wait3A = tpu.memref_slice %arg4[%add3A_7] : memref<16384xi32, #tpu.memory_space<hbm>> -> memref<512xi32, #tpu.memory_space<hbm>>
      %dma_wait3A_10 = tpu.memref_slice %arg4[%add3A_7] : memref<16384xi32, #tpu.memory_space<hbm>> -> memref<512xi32, #tpu.memory_space<hbm>>
      tpu.wait_dma2 semaphore(%run_scoped3A : memref<!tpu.dma_semaphore, #tpu.memory_space<semaphore_mem>>) src(%dma_wait3A_10 : memref<512xi32, #tpu.memory_space<hbm>>) dst(%arg9 : memref<512xi32, #tpu.memory_space<vmem>>)
      tpu.yield
    }) : () -> ()
    "tpu.region"() ({
      %run_scoped3A = tpu.sem_alloc : memref<!tpu.dma_semaphore, #tpu.memory_space<semaphore_mem>>
      %dma_start3A = arith.constant 0 : i32
      %dma_start3A_9 = arith.constant 0 : i32
      %dma_start3A_10 = tpu.memref_slice %arg2[%dma_start3A, %dma_start3A_9] : memref<500000x128xf32, #tpu.memory_space<hbm>> -> memref<500000x128xf32, #tpu.memory_space<hbm>>
      tpu.enqueue_indirect_dma source(%dma_start3A_10 : memref<500000x128xf32, #tpu.memory_space<hbm>>) target(%arg8 : memref<512x128xf32, #tpu.memory_space<vmem>>) offsets(%arg9 : memref<512xi32, #tpu.memory_space<vmem>>) semaphore(%run_scoped3A : memref<!tpu.dma_semaphore, #tpu.memory_space<semaphore_mem>>)
      %dma_wait3A = arith.constant 0 : i32
      %dma_wait3A_11 = arith.constant 0 : i32
      %dma_wait3A_12 = tpu.memref_slice %arg2[%dma_wait3A, %dma_wait3A_11] : memref<500000x128xf32, #tpu.memory_space<hbm>> -> memref<500000x128xf32, #tpu.memory_space<hbm>>
      tpu.wait_indirect_dma semaphore(%run_scoped3A : memref<!tpu.dma_semaphore, #tpu.memory_space<semaphore_mem>>) src(%dma_wait3A_12 : memref<500000x128xf32, #tpu.memory_space<hbm>>) dst(%arg8 : memref<512x128xf32, #tpu.memory_space<vmem>>)
      tpu.yield
    }) : () -> ()
    "tpu.region"() ({
      %run_scoped3A = tpu.sem_alloc : memref<!tpu.dma_semaphore, #tpu.memory_space<semaphore_mem>>
      %dma_start3A = arith.constant 0 : i32
      %dma_start3A_9 = tpu.memref_slice %arg6[%add3A_7, %dma_start3A] : memref<16384x128xf32, #tpu.memory_space<hbm>> -> memref<512x128xf32, #tpu.memory_space<hbm>>
      %dma_start3A_10 = arith.constant 0 : i32
      %dma_start3A_11 = tpu.memref_slice %arg6[%add3A_7, %dma_start3A_10] : memref<16384x128xf32, #tpu.memory_space<hbm>> -> memref<512x128xf32, #tpu.memory_space<hbm>>
      tpu.enqueue_dma source(%arg8 : memref<512x128xf32, #tpu.memory_space<vmem>>) target(%dma_start3A_11 : memref<512x128xf32, #tpu.memory_space<hbm>>) target_semaphore(%run_scoped3A : memref<!tpu.dma_semaphore, #tpu.memory_space<semaphore_mem>>)
      %dma_wait3A = arith.constant 0 : i32
      %dma_wait3A_12 = tpu.memref_slice %arg6[%add3A_7, %dma_wait3A] : memref<16384x128xf32, #tpu.memory_space<hbm>> -> memref<512x128xf32, #tpu.memory_space<hbm>>
      %dma_wait3A_13 = arith.constant 0 : i32
      %dma_wait3A_14 = tpu.memref_slice %arg6[%add3A_7, %dma_wait3A_13] : memref<16384x128xf32, #tpu.memory_space<hbm>> -> memref<512x128xf32, #tpu.memory_space<hbm>>
      tpu.wait_dma2 semaphore(%run_scoped3A : memref<!tpu.dma_semaphore, #tpu.memory_space<semaphore_mem>>) src(%arg8 : memref<512x128xf32, #tpu.memory_space<vmem>>) dst(%dma_wait3A_14 : memref<512x128xf32, #tpu.memory_space<hbm>>)
      tpu.yield
    }) : () -> ()
    "tpu.region"() ({
      %run_scoped3A = tpu.sem_alloc : memref<!tpu.dma_semaphore, #tpu.memory_space<semaphore_mem>>
      %dma_start3A = tpu.memref_slice %arg5[%add3A_7] : memref<16384xi32, #tpu.memory_space<hbm>> -> memref<512xi32, #tpu.memory_space<hbm>>
      %dma_start3A_9 = tpu.memref_slice %arg5[%add3A_7] : memref<16384xi32, #tpu.memory_space<hbm>> -> memref<512xi32, #tpu.memory_space<hbm>>
      tpu.enqueue_dma source(%dma_start3A_9 : memref<512xi32, #tpu.memory_space<hbm>>) target(%arg10 : memref<512xi32, #tpu.memory_space<vmem>>) target_semaphore(%run_scoped3A : memref<!tpu.dma_semaphore, #tpu.memory_space<semaphore_mem>>)
      %dma_wait3A = tpu.memref_slice %arg5[%add3A_7] : memref<16384xi32, #tpu.memory_space<hbm>> -> memref<512xi32, #tpu.memory_space<hbm>>
      %dma_wait3A_10 = tpu.memref_slice %arg5[%add3A_7] : memref<16384xi32, #tpu.memory_space<hbm>> -> memref<512xi32, #tpu.memory_space<hbm>>
      tpu.wait_dma2 semaphore(%run_scoped3A : memref<!tpu.dma_semaphore, #tpu.memory_space<semaphore_mem>>) src(%dma_wait3A_10 : memref<512xi32, #tpu.memory_space<hbm>>) dst(%arg10 : memref<512xi32, #tpu.memory_space<vmem>>)
      tpu.yield
    }) : () -> ()
    "tpu.region"() ({
      %run_scoped3A = tpu.sem_alloc : memref<!tpu.dma_semaphore, #tpu.memory_space<semaphore_mem>>
      %dma_start3A = arith.constant 0 : i32
      %dma_start3A_9 = arith.constant 0 : i32
      %dma_start3A_10 = tpu.memref_slice %arg3[%dma_start3A, %dma_start3A_9] : memref<1000x128xf32, #tpu.memory_space<hbm>> -> memref<1000x128xf32, #tpu.memory_space<hbm>>
      tpu.enqueue_indirect_dma source(%dma_start3A_10 : memref<1000x128xf32, #tpu.memory_space<hbm>>) target(%arg8 : memref<512x128xf32, #tpu.memory_space<vmem>>) offsets(%arg10 : memref<512xi32, #tpu.memory_space<vmem>>) semaphore(%run_scoped3A : memref<!tpu.dma_semaphore, #tpu.memory_space<semaphore_mem>>)
      %dma_wait3A = arith.constant 0 : i32
      %dma_wait3A_11 = arith.constant 0 : i32
      %dma_wait3A_12 = tpu.memref_slice %arg3[%dma_wait3A, %dma_wait3A_11] : memref<1000x128xf32, #tpu.memory_space<hbm>> -> memref<1000x128xf32, #tpu.memory_space<hbm>>
      tpu.wait_indirect_dma semaphore(%run_scoped3A : memref<!tpu.dma_semaphore, #tpu.memory_space<semaphore_mem>>) src(%dma_wait3A_12 : memref<1000x128xf32, #tpu.memory_space<hbm>>) dst(%arg8 : memref<512x128xf32, #tpu.memory_space<vmem>>)
      tpu.yield
    }) : () -> ()
    "tpu.region"() ({
      %run_scoped3A = tpu.sem_alloc : memref<!tpu.dma_semaphore, #tpu.memory_space<semaphore_mem>>
      %dma_start3A = arith.constant 0 : i32
      %dma_start3A_9 = tpu.memref_slice %arg7[%add3A_7, %dma_start3A] : memref<16384x128xf32, #tpu.memory_space<hbm>> -> memref<512x128xf32, #tpu.memory_space<hbm>>
      %dma_start3A_10 = arith.constant 0 : i32
      %dma_start3A_11 = tpu.memref_slice %arg7[%add3A_7, %dma_start3A_10] : memref<16384x128xf32, #tpu.memory_space<hbm>> -> memref<512x128xf32, #tpu.memory_space<hbm>>
      tpu.enqueue_dma source(%arg8 : memref<512x128xf32, #tpu.memory_space<vmem>>) target(%dma_start3A_11 : memref<512x128xf32, #tpu.memory_space<hbm>>) target_semaphore(%run_scoped3A : memref<!tpu.dma_semaphore, #tpu.memory_space<semaphore_mem>>)
      %dma_wait3A = arith.constant 0 : i32
      %dma_wait3A_12 = tpu.memref_slice %arg7[%add3A_7, %dma_wait3A] : memref<16384x128xf32, #tpu.memory_space<hbm>> -> memref<512x128xf32, #tpu.memory_space<hbm>>
      %dma_wait3A_13 = arith.constant 0 : i32
      %dma_wait3A_14 = tpu.memref_slice %arg7[%add3A_7, %dma_wait3A_13] : memref<16384x128xf32, #tpu.memory_space<hbm>> -> memref<512x128xf32, #tpu.memory_space<hbm>>
      tpu.wait_dma2 semaphore(%run_scoped3A : memref<!tpu.dma_semaphore, #tpu.memory_space<semaphore_mem>>) src(%arg8 : memref<512x128xf32, #tpu.memory_space<vmem>>) dst(%dma_wait3A_14 : memref<512x128xf32, #tpu.memory_space<hbm>>)
      tpu.yield
    }) : () -> ()
    %scan3A_8 = arith.constant 1 : i32
    return
  }
}

#map = affine_map<(d0, d1) -> (0, 0)>
#map1 = affine_map<(d0, d1) -> (0)>
module attributes {stable_mosaic.version = 14 : i64} {
  func.func @k(%arg0: i32, %arg1: i32, %arg2: memref<1000x64xf32, #tpu.memory_space<hbm>>, %arg3: memref<100000x64xf32, #tpu.memory_space<hbm>>, %arg4: memref<327680xi32, #tpu.memory_space<hbm>>, %arg5: memref<819200xi32, #tpu.memory_space<hbm>>, %arg6: memref<640xi32, #tpu.memory_space<hbm>>, %arg7: memref<1600xi32, #tpu.memory_space<hbm>>, %arg8: memref<32x64xf32, #tpu.memory_space<hbm>>, %arg9: memref<16384x64xf32, #tpu.memory_space<hbm>>, %arg10: memref<16384x64xf32, #tpu.memory_space<hbm>>, %arg11: memref<1600x64xf32, #tpu.memory_space<vmem>>, %arg12: memref<16x32x64xf32, #tpu.memory_space<vmem_shared>>, %arg13: memref<16x32x64xf32, #tpu.memory_space<vmem_shared>>, %arg14: memref<1000x64xf32, #tpu.memory_space<vmem_shared>>, %arg15: memref<32x64xf32, #tpu.memory_space<vmem>>, %arg16: memref<640xi32, #tpu.memory_space<vmem>>, %arg17: memref<1600xi32, #tpu.memory_space<vmem>>, %arg18: memref<640xi32, #tpu.memory_space<vmem>>, %arg19: memref<1600xi32, #tpu.memory_space<vmem>>) attributes {dimension_semantics = [#tpu.dimension_semantics<core_parallel>, #tpu.dimension_semantics<subcore_parallel>], iteration_bounds = array<i64: 2, 16>, scalar_prefetch = 0 : i64, scratch_operands = 9 : i64, tpu.core_type = #tpu.core_type<sc_vector_subcore>, window_params = [{transform_indices = #map}, {transform_indices = #map}, {transform_indices = #map1}, {transform_indices = #map1}, {transform_indices = #map1}, {transform_indices = #map1}, {transform_indices = #map}, {transform_indices = #map}, {transform_indices = #map}]} {
    %mul3A = arith.constant 2 : i32
    %mul3A_0 = arith.muli %arg1, %mul3A : i32
    %add3A = arith.addi %mul3A_0, %arg0 : i32
    %mul3A_1 = arith.constant 512 : i32
    %mul3A_2 = arith.muli %add3A, %mul3A_1 : i32
    "tpu.region"() ({
      %run_scoped3A = tpu.sem_alloc : memref<!tpu.dma_semaphore, #tpu.memory_space<semaphore_mem>>
      tpu.enqueue_dma source(%arg6 : memref<640xi32, #tpu.memory_space<hbm>>) target(%arg18 : memref<640xi32, #tpu.memory_space<vmem>>) target_semaphore(%run_scoped3A : memref<!tpu.dma_semaphore, #tpu.memory_space<semaphore_mem>>)
      tpu.wait_dma2 semaphore(%run_scoped3A : memref<!tpu.dma_semaphore, #tpu.memory_space<semaphore_mem>>) src(%arg6 : memref<640xi32, #tpu.memory_space<hbm>>) dst(%arg18 : memref<640xi32, #tpu.memory_space<vmem>>)
      tpu.yield
    }) : () -> ()
    "tpu.region"() ({
      %run_scoped3A = tpu.sem_alloc : memref<!tpu.dma_semaphore, #tpu.memory_space<semaphore_mem>>
      tpu.enqueue_dma source(%arg7 : memref<1600xi32, #tpu.memory_space<hbm>>) target(%arg19 : memref<1600xi32, #tpu.memory_space<vmem>>) target_semaphore(%run_scoped3A : memref<!tpu.dma_semaphore, #tpu.memory_space<semaphore_mem>>)
      tpu.wait_dma2 semaphore(%run_scoped3A : memref<!tpu.dma_semaphore, #tpu.memory_space<semaphore_mem>>) src(%arg7 : memref<1600xi32, #tpu.memory_space<hbm>>) dst(%arg19 : memref<1600xi32, #tpu.memory_space<vmem>>)
      tpu.yield
    }) : () -> ()
    "tpu.region"() ({
      %run_scoped3A = tpu.sem_alloc : memref<!tpu.dma_semaphore, #tpu.memory_space<semaphore_mem>>
      tpu.enqueue_dma source(%arg8 : memref<32x64xf32, #tpu.memory_space<hbm>>) target(%arg15 : memref<32x64xf32, #tpu.memory_space<vmem>>) target_semaphore(%run_scoped3A : memref<!tpu.dma_semaphore, #tpu.memory_space<semaphore_mem>>)
      tpu.wait_dma2 semaphore(%run_scoped3A : memref<!tpu.dma_semaphore, #tpu.memory_space<semaphore_mem>>) src(%arg8 : memref<32x64xf32, #tpu.memory_space<hbm>>) dst(%arg15 : memref<32x64xf32, #tpu.memory_space<vmem>>)
      tpu.yield
    }) : () -> ()
    "tpu.region"() ({
      %run_scoped3A = tpu.sem_alloc : memref<!tpu.dma_semaphore, #tpu.memory_space<semaphore_mem>>
      tpu.enqueue_dma source(%arg2 : memref<1000x64xf32, #tpu.memory_space<hbm>>) target(%arg14 : memref<1000x64xf32, #tpu.memory_space<vmem_shared>>) target_semaphore(%run_scoped3A : memref<!tpu.dma_semaphore, #tpu.memory_space<semaphore_mem>>)
      tpu.wait_dma2 semaphore(%run_scoped3A : memref<!tpu.dma_semaphore, #tpu.memory_space<semaphore_mem>>) src(%arg2 : memref<1000x64xf32, #tpu.memory_space<hbm>>) dst(%arg14 : memref<1000x64xf32, #tpu.memory_space<vmem_shared>>)
      tpu.yield
    }) : () -> ()
    %scan3A = arith.constant 0 : i32
    %scan3A_3 = arith.constant 16 : i32
    %scan3A_4 = arith.addi %scan3A, %scan3A_3 : i32
    %scan3A_5 = arith.constant 1 : i32
    scf.for %scan3A_7 = %scan3A to %scan3A_4 step %scan3A_5  : i32 {
      %mul3A_8 = arith.constant 32 : i32
      %mul3A_9 = arith.muli %scan3A_7, %mul3A_8 : i32
      %add3A_10 = arith.constant 0 : i32
      %add3A_11 = arith.addi %add3A_10, %mul3A_9 : i32
      %add3A_12 = arith.addi %mul3A_2, %add3A_11 : i32
      %mul3A_13 = arith.constant 20 : i32
      %mul3A_14 = arith.muli %add3A_12, %mul3A_13 : i32
      "tpu.region"() ({
        %run_scoped3A = tpu.sem_alloc : memref<!tpu.dma_semaphore, #tpu.memory_space<semaphore_mem>>
        %dma_start3A = tpu.memref_slice %arg4[%mul3A_14] : memref<327680xi32, #tpu.memory_space<hbm>> -> memref<640xi32, #tpu.memory_space<hbm>>
        %dma_start3A_17 = tpu.memref_slice %arg4[%mul3A_14] : memref<327680xi32, #tpu.memory_space<hbm>> -> memref<640xi32, #tpu.memory_space<hbm>>
        tpu.enqueue_dma source(%dma_start3A_17 : memref<640xi32, #tpu.memory_space<hbm>>) target(%arg16 : memref<640xi32, #tpu.memory_space<vmem>>) target_semaphore(%run_scoped3A : memref<!tpu.dma_semaphore, #tpu.memory_space<semaphore_mem>>)
        %dma_wait3A = tpu.memref_slice %arg4[%mul3A_14] : memref<327680xi32, #tpu.memory_space<hbm>> -> memref<640xi32, #tpu.memory_space<hbm>>
        %dma_wait3A_18 = tpu.memref_slice %arg4[%mul3A_14] : memref<327680xi32, #tpu.memory_space<hbm>> -> memref<640xi32, #tpu.memory_space<hbm>>
        tpu.wait_dma2 semaphore(%run_scoped3A : memref<!tpu.dma_semaphore, #tpu.memory_space<semaphore_mem>>) src(%dma_wait3A_18 : memref<640xi32, #tpu.memory_space<hbm>>) dst(%arg16 : memref<640xi32, #tpu.memory_space<vmem>>)
        tpu.yield
      }) : () -> ()
      %mul3A_15 = arith.constant 50 : i32
      %mul3A_16 = arith.muli %add3A_12, %mul3A_15 : i32
      "tpu.region"() ({
        %run_scoped3A = tpu.sem_alloc : memref<!tpu.dma_semaphore, #tpu.memory_space<semaphore_mem>>
        %dma_start3A = tpu.memref_slice %arg5[%mul3A_16] : memref<819200xi32, #tpu.memory_space<hbm>> -> memref<1600xi32, #tpu.memory_space<hbm>>
        %dma_start3A_17 = tpu.memref_slice %arg5[%mul3A_16] : memref<819200xi32, #tpu.memory_space<hbm>> -> memref<1600xi32, #tpu.memory_space<hbm>>
        tpu.enqueue_dma source(%dma_start3A_17 : memref<1600xi32, #tpu.memory_space<hbm>>) target(%arg17 : memref<1600xi32, #tpu.memory_space<vmem>>) target_semaphore(%run_scoped3A : memref<!tpu.dma_semaphore, #tpu.memory_space<semaphore_mem>>)
        %dma_wait3A = tpu.memref_slice %arg5[%mul3A_16] : memref<819200xi32, #tpu.memory_space<hbm>> -> memref<1600xi32, #tpu.memory_space<hbm>>
        %dma_wait3A_18 = tpu.memref_slice %arg5[%mul3A_16] : memref<819200xi32, #tpu.memory_space<hbm>> -> memref<1600xi32, #tpu.memory_space<hbm>>
        tpu.wait_dma2 semaphore(%run_scoped3A : memref<!tpu.dma_semaphore, #tpu.memory_space<semaphore_mem>>) src(%dma_wait3A_18 : memref<1600xi32, #tpu.memory_space<hbm>>) dst(%arg17 : memref<1600xi32, #tpu.memory_space<vmem>>)
        tpu.yield
      }) : () -> ()
      "tpu.region"() ({
        %run_scoped3A = tpu.sem_alloc : memref<!tpu.dma_semaphore, #tpu.memory_space<semaphore_mem>>
        %dma_start3A = arith.constant 0 : i32
        %dma_start3A_17 = arith.constant 0 : i32
        %dma_start3A_18 = tpu.memref_slice %arg12[%arg1, %dma_start3A, %dma_start3A_17] : memref<16x32x64xf32, #tpu.memory_space<vmem_shared>> -> memref<1x32x64xf32, #tpu.memory_space<vmem_shared>>
        %dma_start3A_19 = tpu.memref_squeeze %dma_start3A_18 : memref<1x32x64xf32, #tpu.memory_space<vmem_shared>> -> memref<32x64xf32, #tpu.memory_space<vmem_shared>>
        %dma_start3A_20 = arith.constant 0 : i32
        %dma_start3A_21 = arith.constant 0 : i32
        %dma_start3A_22 = tpu.memref_slice %arg12[%arg1, %dma_start3A_20, %dma_start3A_21] : memref<16x32x64xf32, #tpu.memory_space<vmem_shared>> -> memref<1x32x64xf32, #tpu.memory_space<vmem_shared>>
        %dma_start3A_23 = tpu.memref_squeeze %dma_start3A_22 : memref<1x32x64xf32, #tpu.memory_space<vmem_shared>> -> memref<32x64xf32, #tpu.memory_space<vmem_shared>>
        tpu.enqueue_dma source(%arg15 : memref<32x64xf32, #tpu.memory_space<vmem>>) target(%dma_start3A_23 : memref<32x64xf32, #tpu.memory_space<vmem_shared>>) target_semaphore(%run_scoped3A : memref<!tpu.dma_semaphore, #tpu.memory_space<semaphore_mem>>)
        %dma_wait3A = arith.constant 0 : i32
        %dma_wait3A_24 = arith.constant 0 : i32
        %dma_wait3A_25 = tpu.memref_slice %arg12[%arg1, %dma_wait3A, %dma_wait3A_24] : memref<16x32x64xf32, #tpu.memory_space<vmem_shared>> -> memref<1x32x64xf32, #tpu.memory_space<vmem_shared>>
        %dma_wait3A_26 = tpu.memref_squeeze %dma_wait3A_25 : memref<1x32x64xf32, #tpu.memory_space<vmem_shared>> -> memref<32x64xf32, #tpu.memory_space<vmem_shared>>
        %dma_wait3A_27 = arith.constant 0 : i32
        %dma_wait3A_28 = arith.constant 0 : i32
        %dma_wait3A_29 = tpu.memref_slice %arg12[%arg1, %dma_wait3A_27, %dma_wait3A_28] : memref<16x32x64xf32, #tpu.memory_space<vmem_shared>> -> memref<1x32x64xf32, #tpu.memory_space<vmem_shared>>
        %dma_wait3A_30 = tpu.memref_squeeze %dma_wait3A_29 : memref<1x32x64xf32, #tpu.memory_space<vmem_shared>> -> memref<32x64xf32, #tpu.memory_space<vmem_shared>>
        tpu.wait_dma2 semaphore(%run_scoped3A : memref<!tpu.dma_semaphore, #tpu.memory_space<semaphore_mem>>) src(%arg15 : memref<32x64xf32, #tpu.memory_space<vmem>>) dst(%dma_wait3A_30 : memref<32x64xf32, #tpu.memory_space<vmem_shared>>)
        tpu.yield
      }) : () -> ()
      "tpu.region"() ({
        %run_scoped3A = tpu.sem_alloc : memref<!tpu.dma_semaphore, #tpu.memory_space<semaphore_mem>>
        %dma_start3A = arith.constant 0 : i32
        %dma_start3A_17 = arith.constant 0 : i32
        %dma_start3A_18 = tpu.memref_slice %arg11[%dma_start3A, %dma_start3A_17] : memref<1600x64xf32, #tpu.memory_space<vmem>> -> memref<640x64xf32, #tpu.memory_space<vmem>>
        %dma_start3A_19 = arith.constant 0 : i32
        %dma_start3A_20 = arith.constant 0 : i32
        %dma_start3A_21 = tpu.memref_slice %arg14[%dma_start3A_19, %dma_start3A_20] : memref<1000x64xf32, #tpu.memory_space<vmem_shared>> -> memref<1000x64xf32, #tpu.memory_space<vmem_shared>>
        tpu.enqueue_indirect_dma source(%dma_start3A_21 : memref<1000x64xf32, #tpu.memory_space<vmem_shared>>) target(%dma_start3A_18 : memref<640x64xf32, #tpu.memory_space<vmem>>) offsets(%arg16 : memref<640xi32, #tpu.memory_space<vmem>>) semaphore(%run_scoped3A : memref<!tpu.dma_semaphore, #tpu.memory_space<semaphore_mem>>)
        %dma_wait3A = arith.constant 0 : i32
        %dma_wait3A_22 = arith.constant 0 : i32
        %dma_wait3A_23 = tpu.memref_slice %arg11[%dma_wait3A, %dma_wait3A_22] : memref<1600x64xf32, #tpu.memory_space<vmem>> -> memref<640x64xf32, #tpu.memory_space<vmem>>
        %dma_wait3A_24 = arith.constant 0 : i32
        %dma_wait3A_25 = arith.constant 0 : i32
        %dma_wait3A_26 = tpu.memref_slice %arg14[%dma_wait3A_24, %dma_wait3A_25] : memref<1000x64xf32, #tpu.memory_space<vmem_shared>> -> memref<1000x64xf32, #tpu.memory_space<vmem_shared>>
        tpu.wait_indirect_dma semaphore(%run_scoped3A : memref<!tpu.dma_semaphore, #tpu.memory_space<semaphore_mem>>) src(%dma_wait3A_26 : memref<1000x64xf32, #tpu.memory_space<vmem_shared>>) dst(%dma_wait3A_23 : memref<640x64xf32, #tpu.memory_space<vmem>>)
        tpu.yield
      }) : () -> ()
      "tpu.region"() ({
        %run_scoped3A = tpu.sem_alloc : memref<!tpu.dma_semaphore, #tpu.memory_space<semaphore_mem>>
        %dma_start3A = arith.constant 0 : i32
        %dma_start3A_17 = arith.constant 0 : i32
        %dma_start3A_18 = tpu.memref_slice %arg11[%dma_start3A, %dma_start3A_17] : memref<1600x64xf32, #tpu.memory_space<vmem>> -> memref<640x64xf32, #tpu.memory_space<vmem>>
        %dma_start3A_19 = arith.constant 0 : i32
        %dma_start3A_20 = arith.constant 0 : i32
        %dma_start3A_21 = tpu.memref_slice %arg12[%arg1, %dma_start3A_19, %dma_start3A_20] : memref<16x32x64xf32, #tpu.memory_space<vmem_shared>> -> memref<1x32x64xf32, #tpu.memory_space<vmem_shared>>
        %dma_start3A_22 = tpu.memref_squeeze %dma_start3A_21 : memref<1x32x64xf32, #tpu.memory_space<vmem_shared>> -> memref<32x64xf32, #tpu.memory_space<vmem_shared>>
        %dma_start3A_23 = arith.constant 0 : i32
        %dma_start3A_24 = arith.constant 0 : i32
        %dma_start3A_25 = tpu.memref_slice %dma_start3A_22[%dma_start3A_23, %dma_start3A_24] : memref<32x64xf32, #tpu.memory_space<vmem_shared>> -> memref<32x64xf32, #tpu.memory_space<vmem_shared>>
        tpu.enqueue_indirect_dma source(%dma_start3A_18 : memref<640x64xf32, #tpu.memory_space<vmem>>) target(%dma_start3A_25 : memref<32x64xf32, #tpu.memory_space<vmem_shared>>) offsets(%arg18 : memref<640xi32, #tpu.memory_space<vmem>>) semaphore(%run_scoped3A : memref<!tpu.dma_semaphore, #tpu.memory_space<semaphore_mem>>) {add = true}
        %dma_wait3A = arith.constant 0 : i32
        %dma_wait3A_26 = arith.constant 0 : i32
        %dma_wait3A_27 = tpu.memref_slice %arg11[%dma_wait3A, %dma_wait3A_26] : memref<1600x64xf32, #tpu.memory_space<vmem>> -> memref<640x64xf32, #tpu.memory_space<vmem>>
        %dma_wait3A_28 = arith.constant 0 : i32
        %dma_wait3A_29 = arith.constant 0 : i32
        %dma_wait3A_30 = tpu.memref_slice %arg12[%arg1, %dma_wait3A_28, %dma_wait3A_29] : memref<16x32x64xf32, #tpu.memory_space<vmem_shared>> -> memref<1x32x64xf32, #tpu.memory_space<vmem_shared>>
        %dma_wait3A_31 = tpu.memref_squeeze %dma_wait3A_30 : memref<1x32x64xf32, #tpu.memory_space<vmem_shared>> -> memref<32x64xf32, #tpu.memory_space<vmem_shared>>
        %dma_wait3A_32 = arith.constant 0 : i32
        %dma_wait3A_33 = arith.constant 0 : i32
        %dma_wait3A_34 = tpu.memref_slice %dma_wait3A_31[%dma_wait3A_32, %dma_wait3A_33] : memref<32x64xf32, #tpu.memory_space<vmem_shared>> -> memref<32x64xf32, #tpu.memory_space<vmem_shared>>
        tpu.wait_indirect_dma semaphore(%run_scoped3A : memref<!tpu.dma_semaphore, #tpu.memory_space<semaphore_mem>>) src(%dma_wait3A_27 : memref<640x64xf32, #tpu.memory_space<vmem>>) dst(%dma_wait3A_34 : memref<32x64xf32, #tpu.memory_space<vmem_shared>>)
        tpu.yield
      }) : () -> ()
      "tpu.region"() ({
        %run_scoped3A = tpu.sem_alloc : memref<!tpu.dma_semaphore, #tpu.memory_space<semaphore_mem>>
        %dma_start3A = arith.constant 0 : i32
        %dma_start3A_17 = tpu.memref_slice %arg9[%add3A_12, %dma_start3A] : memref<16384x64xf32, #tpu.memory_space<hbm>> -> memref<32x64xf32, #tpu.memory_space<hbm>>
        %dma_start3A_18 = arith.constant 0 : i32
        %dma_start3A_19 = arith.constant 0 : i32
        %dma_start3A_20 = tpu.memref_slice %arg12[%arg1, %dma_start3A_18, %dma_start3A_19] : memref<16x32x64xf32, #tpu.memory_space<vmem_shared>> -> memref<1x32x64xf32, #tpu.memory_space<vmem_shared>>
        %dma_start3A_21 = tpu.memref_squeeze %dma_start3A_20 : memref<1x32x64xf32, #tpu.memory_space<vmem_shared>> -> memref<32x64xf32, #tpu.memory_space<vmem_shared>>
        tpu.enqueue_dma source(%dma_start3A_21 : memref<32x64xf32, #tpu.memory_space<vmem_shared>>) target(%dma_start3A_17 : memref<32x64xf32, #tpu.memory_space<hbm>>) target_semaphore(%run_scoped3A : memref<!tpu.dma_semaphore, #tpu.memory_space<semaphore_mem>>)
        %dma_wait3A = arith.constant 0 : i32
        %dma_wait3A_22 = tpu.memref_slice %arg9[%add3A_12, %dma_wait3A] : memref<16384x64xf32, #tpu.memory_space<hbm>> -> memref<32x64xf32, #tpu.memory_space<hbm>>
        %dma_wait3A_23 = arith.constant 0 : i32
        %dma_wait3A_24 = arith.constant 0 : i32
        %dma_wait3A_25 = tpu.memref_slice %arg12[%arg1, %dma_wait3A_23, %dma_wait3A_24] : memref<16x32x64xf32, #tpu.memory_space<vmem_shared>> -> memref<1x32x64xf32, #tpu.memory_space<vmem_shared>>
        %dma_wait3A_26 = tpu.memref_squeeze %dma_wait3A_25 : memref<1x32x64xf32, #tpu.memory_space<vmem_shared>> -> memref<32x64xf32, #tpu.memory_space<vmem_shared>>
        tpu.wait_dma2 semaphore(%run_scoped3A : memref<!tpu.dma_semaphore, #tpu.memory_space<semaphore_mem>>) src(%dma_wait3A_26 : memref<32x64xf32, #tpu.memory_space<vmem_shared>>) dst(%dma_wait3A_22 : memref<32x64xf32, #tpu.memory_space<hbm>>)
        tpu.yield
      }) : () -> ()
      "tpu.region"() ({
        %run_scoped3A = tpu.sem_alloc : memref<!tpu.dma_semaphore, #tpu.memory_space<semaphore_mem>>
        %dma_start3A = arith.constant 0 : i32
        %dma_start3A_17 = arith.constant 0 : i32
        %dma_start3A_18 = tpu.memref_slice %arg13[%arg1, %dma_start3A, %dma_start3A_17] : memref<16x32x64xf32, #tpu.memory_space<vmem_shared>> -> memref<1x32x64xf32, #tpu.memory_space<vmem_shared>>
        %dma_start3A_19 = tpu.memref_squeeze %dma_start3A_18 : memref<1x32x64xf32, #tpu.memory_space<vmem_shared>> -> memref<32x64xf32, #tpu.memory_space<vmem_shared>>
        %dma_start3A_20 = arith.constant 0 : i32
        %dma_start3A_21 = arith.constant 0 : i32
        %dma_start3A_22 = tpu.memref_slice %arg13[%arg1, %dma_start3A_20, %dma_start3A_21] : memref<16x32x64xf32, #tpu.memory_space<vmem_shared>> -> memref<1x32x64xf32, #tpu.memory_space<vmem_shared>>
        %dma_start3A_23 = tpu.memref_squeeze %dma_start3A_22 : memref<1x32x64xf32, #tpu.memory_space<vmem_shared>> -> memref<32x64xf32, #tpu.memory_space<vmem_shared>>
        tpu.enqueue_dma source(%arg15 : memref<32x64xf32, #tpu.memory_space<vmem>>) target(%dma_start3A_23 : memref<32x64xf32, #tpu.memory_space<vmem_shared>>) target_semaphore(%run_scoped3A : memref<!tpu.dma_semaphore, #tpu.memory_space<semaphore_mem>>)
        %dma_wait3A = arith.constant 0 : i32
        %dma_wait3A_24 = arith.constant 0 : i32
        %dma_wait3A_25 = tpu.memref_slice %arg13[%arg1, %dma_wait3A, %dma_wait3A_24] : memref<16x32x64xf32, #tpu.memory_space<vmem_shared>> -> memref<1x32x64xf32, #tpu.memory_space<vmem_shared>>
        %dma_wait3A_26 = tpu.memref_squeeze %dma_wait3A_25 : memref<1x32x64xf32, #tpu.memory_space<vmem_shared>> -> memref<32x64xf32, #tpu.memory_space<vmem_shared>>
        %dma_wait3A_27 = arith.constant 0 : i32
        %dma_wait3A_28 = arith.constant 0 : i32
        %dma_wait3A_29 = tpu.memref_slice %arg13[%arg1, %dma_wait3A_27, %dma_wait3A_28] : memref<16x32x64xf32, #tpu.memory_space<vmem_shared>> -> memref<1x32x64xf32, #tpu.memory_space<vmem_shared>>
        %dma_wait3A_30 = tpu.memref_squeeze %dma_wait3A_29 : memref<1x32x64xf32, #tpu.memory_space<vmem_shared>> -> memref<32x64xf32, #tpu.memory_space<vmem_shared>>
        tpu.wait_dma2 semaphore(%run_scoped3A : memref<!tpu.dma_semaphore, #tpu.memory_space<semaphore_mem>>) src(%arg15 : memref<32x64xf32, #tpu.memory_space<vmem>>) dst(%dma_wait3A_30 : memref<32x64xf32, #tpu.memory_space<vmem_shared>>)
        tpu.yield
      }) : () -> ()
      "tpu.region"() ({
        %run_scoped3A = tpu.sem_alloc : memref<!tpu.dma_semaphore, #tpu.memory_space<semaphore_mem>>
        %dma_start3A = arith.constant 0 : i32
        %dma_start3A_17 = arith.constant 0 : i32
        %dma_start3A_18 = tpu.memref_slice %arg3[%dma_start3A, %dma_start3A_17] : memref<100000x64xf32, #tpu.memory_space<hbm>> -> memref<100000x64xf32, #tpu.memory_space<hbm>>
        tpu.enqueue_indirect_dma source(%dma_start3A_18 : memref<100000x64xf32, #tpu.memory_space<hbm>>) target(%arg11 : memref<1600x64xf32, #tpu.memory_space<vmem>>) offsets(%arg17 : memref<1600xi32, #tpu.memory_space<vmem>>) semaphore(%run_scoped3A : memref<!tpu.dma_semaphore, #tpu.memory_space<semaphore_mem>>)
        %dma_wait3A = arith.constant 0 : i32
        %dma_wait3A_19 = arith.constant 0 : i32
        %dma_wait3A_20 = tpu.memref_slice %arg3[%dma_wait3A, %dma_wait3A_19] : memref<100000x64xf32, #tpu.memory_space<hbm>> -> memref<100000x64xf32, #tpu.memory_space<hbm>>
        tpu.wait_indirect_dma semaphore(%run_scoped3A : memref<!tpu.dma_semaphore, #tpu.memory_space<semaphore_mem>>) src(%dma_wait3A_20 : memref<100000x64xf32, #tpu.memory_space<hbm>>) dst(%arg11 : memref<1600x64xf32, #tpu.memory_space<vmem>>)
        tpu.yield
      }) : () -> ()
      "tpu.region"() ({
        %run_scoped3A = tpu.sem_alloc : memref<!tpu.dma_semaphore, #tpu.memory_space<semaphore_mem>>
        %dma_start3A = arith.constant 0 : i32
        %dma_start3A_17 = arith.constant 0 : i32
        %dma_start3A_18 = tpu.memref_slice %arg13[%arg1, %dma_start3A, %dma_start3A_17] : memref<16x32x64xf32, #tpu.memory_space<vmem_shared>> -> memref<1x32x64xf32, #tpu.memory_space<vmem_shared>>
        %dma_start3A_19 = tpu.memref_squeeze %dma_start3A_18 : memref<1x32x64xf32, #tpu.memory_space<vmem_shared>> -> memref<32x64xf32, #tpu.memory_space<vmem_shared>>
        %dma_start3A_20 = arith.constant 0 : i32
        %dma_start3A_21 = arith.constant 0 : i32
        %dma_start3A_22 = tpu.memref_slice %dma_start3A_19[%dma_start3A_20, %dma_start3A_21] : memref<32x64xf32, #tpu.memory_space<vmem_shared>> -> memref<32x64xf32, #tpu.memory_space<vmem_shared>>
        tpu.enqueue_indirect_dma source(%arg11 : memref<1600x64xf32, #tpu.memory_space<vmem>>) target(%dma_start3A_22 : memref<32x64xf32, #tpu.memory_space<vmem_shared>>) offsets(%arg19 : memref<1600xi32, #tpu.memory_space<vmem>>) semaphore(%run_scoped3A : memref<!tpu.dma_semaphore, #tpu.memory_space<semaphore_mem>>) {add = true}
        %dma_wait3A = arith.constant 0 : i32
        %dma_wait3A_23 = arith.constant 0 : i32
        %dma_wait3A_24 = tpu.memref_slice %arg13[%arg1, %dma_wait3A, %dma_wait3A_23] : memref<16x32x64xf32, #tpu.memory_space<vmem_shared>> -> memref<1x32x64xf32, #tpu.memory_space<vmem_shared>>
        %dma_wait3A_25 = tpu.memref_squeeze %dma_wait3A_24 : memref<1x32x64xf32, #tpu.memory_space<vmem_shared>> -> memref<32x64xf32, #tpu.memory_space<vmem_shared>>
        %dma_wait3A_26 = arith.constant 0 : i32
        %dma_wait3A_27 = arith.constant 0 : i32
        %dma_wait3A_28 = tpu.memref_slice %dma_wait3A_25[%dma_wait3A_26, %dma_wait3A_27] : memref<32x64xf32, #tpu.memory_space<vmem_shared>> -> memref<32x64xf32, #tpu.memory_space<vmem_shared>>
        tpu.wait_indirect_dma semaphore(%run_scoped3A : memref<!tpu.dma_semaphore, #tpu.memory_space<semaphore_mem>>) src(%arg11 : memref<1600x64xf32, #tpu.memory_space<vmem>>) dst(%dma_wait3A_28 : memref<32x64xf32, #tpu.memory_space<vmem_shared>>)
        tpu.yield
      }) : () -> ()
      "tpu.region"() ({
        %run_scoped3A = tpu.sem_alloc : memref<!tpu.dma_semaphore, #tpu.memory_space<semaphore_mem>>
        %dma_start3A = arith.constant 0 : i32
        %dma_start3A_17 = tpu.memref_slice %arg10[%add3A_12, %dma_start3A] : memref<16384x64xf32, #tpu.memory_space<hbm>> -> memref<32x64xf32, #tpu.memory_space<hbm>>
        %dma_start3A_18 = arith.constant 0 : i32
        %dma_start3A_19 = arith.constant 0 : i32
        %dma_start3A_20 = tpu.memref_slice %arg13[%arg1, %dma_start3A_18, %dma_start3A_19] : memref<16x32x64xf32, #tpu.memory_space<vmem_shared>> -> memref<1x32x64xf32, #tpu.memory_space<vmem_shared>>
        %dma_start3A_21 = tpu.memref_squeeze %dma_start3A_20 : memref<1x32x64xf32, #tpu.memory_space<vmem_shared>> -> memref<32x64xf32, #tpu.memory_space<vmem_shared>>
        tpu.enqueue_dma source(%dma_start3A_21 : memref<32x64xf32, #tpu.memory_space<vmem_shared>>) target(%dma_start3A_17 : memref<32x64xf32, #tpu.memory_space<hbm>>) target_semaphore(%run_scoped3A : memref<!tpu.dma_semaphore, #tpu.memory_space<semaphore_mem>>)
        %dma_wait3A = arith.constant 0 : i32
        %dma_wait3A_22 = tpu.memref_slice %arg10[%add3A_12, %dma_wait3A] : memref<16384x64xf32, #tpu.memory_space<hbm>> -> memref<32x64xf32, #tpu.memory_space<hbm>>
        %dma_wait3A_23 = arith.constant 0 : i32
        %dma_wait3A_24 = arith.constant 0 : i32
        %dma_wait3A_25 = tpu.memref_slice %arg13[%arg1, %dma_wait3A_23, %dma_wait3A_24] : memref<16x32x64xf32, #tpu.memory_space<vmem_shared>> -> memref<1x32x64xf32, #tpu.memory_space<vmem_shared>>
        %dma_wait3A_26 = tpu.memref_squeeze %dma_wait3A_25 : memref<1x32x64xf32, #tpu.memory_space<vmem_shared>> -> memref<32x64xf32, #tpu.memory_space<vmem_shared>>
        tpu.wait_dma2 semaphore(%run_scoped3A : memref<!tpu.dma_semaphore, #tpu.memory_space<semaphore_mem>>) src(%dma_wait3A_26 : memref<32x64xf32, #tpu.memory_space<vmem_shared>>) dst(%dma_wait3A_22 : memref<32x64xf32, #tpu.memory_space<hbm>>)
        tpu.yield
      }) : () -> ()
    }
    %scan3A_6 = arith.constant 16 : i32
    return
  }
}

module attributes {stable_mosaic.version = 14 : i64} {
  func.func @_mlp_body(%arg0: i32, %arg1: memref<2048x128xf32, #tpu.memory_space<vmem>>, %arg2: memref<2048x64xf32, #tpu.memory_space<vmem>>, %arg3: memref<2048x128xf32, #tpu.memory_space<vmem>>, %arg4: memref<2048x64xf32, #tpu.memory_space<vmem>>, %arg5: memref<2048x20xi32, #tpu.memory_space<vmem>>, %arg6: memref<2048x50xi32, #tpu.memory_space<vmem>>, %arg7: memref<2048x1xf32, #tpu.memory_space<vmem>>, %arg8: memref<208x128xf32, #tpu.memory_space<vmem>>, %arg9: memref<1x128xf32, #tpu.memory_space<vmem>>, %arg10: memref<128x64xf32, #tpu.memory_space<vmem>>, %arg11: memref<1x64xf32, #tpu.memory_space<vmem>>, %arg12: memref<64x64xf32, #tpu.memory_space<vmem>>, %arg13: memref<1x64xf32, #tpu.memory_space<vmem>>, %arg14: memref<2048x64xf32, #tpu.memory_space<vmem>>) attributes {dimension_semantics = [#tpu.dimension_semantics<arbitrary>], iteration_bounds = array<i64: 8>, scalar_prefetch = 0 : i64, scratch_operands = 0 : i64, tpu.core_type = #tpu.core_type<tc>, window_params = [{transform_indices = @transform_0, window_bounds = array<i64: 2048, 128>}, {transform_indices = @transform_1, window_bounds = array<i64: 2048, 64>}, {transform_indices = @transform_2, window_bounds = array<i64: 2048, 128>}, {transform_indices = @transform_3, window_bounds = array<i64: 2048, 64>}, {transform_indices = @transform_4, window_bounds = array<i64: 2048, 20>}, {transform_indices = @transform_5, window_bounds = array<i64: 2048, 50>}, {transform_indices = @transform_6, window_bounds = array<i64: 2048, 1>}, {pipeline_mode = #tpu.pipeline_mode<synchronous>, transform_indices = @transform_7, window_bounds = array<i64: 208, 128>}, {pipeline_mode = #tpu.pipeline_mode<synchronous>, transform_indices = @transform_8, window_bounds = array<i64: 1, 128>}, {pipeline_mode = #tpu.pipeline_mode<synchronous>, transform_indices = @transform_9, window_bounds = array<i64: 128, 64>}, {pipeline_mode = #tpu.pipeline_mode<synchronous>, transform_indices = @transform_10, window_bounds = array<i64: 1, 64>}, {pipeline_mode = #tpu.pipeline_mode<synchronous>, transform_indices = @transform_11, window_bounds = array<i64: 64, 64>}, {pipeline_mode = #tpu.pipeline_mode<synchronous>, transform_indices = @transform_12, window_bounds = array<i64: 1, 64>}, {transform_indices = @transform_13, window_bounds = array<i64: 2048, 64>}]} {
    %get3A = arith.constant 0 : index
    %get3A_0 = arith.constant 0 : index
    %get3A_1 = vector.load %arg5[%get3A, %get3A_0] : memref<2048x20xi32, #tpu.memory_space<vmem>>, vector<2048x20xi32>
    %ne3A = arith.constant 0 : i32
    %ne3A_2 = vector.broadcast %ne3A : i32 to vector<2048x20xi32>
    %ne3A_3 = arith.cmpi ne, %get3A_1, %ne3A_2 : vector<2048x20xi32>
    %convert_element_type3A = arith.extui %ne3A_3 : vector<2048x20xi1> to vector<2048x20xi32>
    %convert_element_type3A_4 = arith.sitofp %convert_element_type3A : vector<2048x20xi32> to vector<2048x20xf32>
    %reduce_sum3A = arith.constant dense<0.000000e+00> : vector<2048xf32>
    %reduce_sum3A_5 = vector.multi_reduction <add>, %convert_element_type3A_4, %reduce_sum3A [1] : vector<2048x20xf32> to vector<2048xf32>
    %broadcast_in_dim3A = vector.shape_cast %reduce_sum3A_5 : vector<2048xf32> to vector<2048x1xf32>
    %get3A_6 = arith.constant 0 : index
    %get3A_7 = arith.constant 0 : index
    %get3A_8 = vector.load %arg6[%get3A_6, %get3A_7] : memref<2048x50xi32, #tpu.memory_space<vmem>>, vector<2048x50xi32>
    %ne3A_9 = arith.constant 0 : i32
    %ne3A_10 = vector.broadcast %ne3A_9 : i32 to vector<2048x50xi32>
    %ne3A_11 = arith.cmpi ne, %get3A_8, %ne3A_10 : vector<2048x50xi32>
    %convert_element_type3A_12 = arith.extui %ne3A_11 : vector<2048x50xi1> to vector<2048x50xi32>
    %convert_element_type3A_13 = arith.sitofp %convert_element_type3A_12 : vector<2048x50xi32> to vector<2048x50xf32>
    %reduce_sum3A_14 = arith.constant dense<0.000000e+00> : vector<2048xf32>
    %reduce_sum3A_15 = vector.multi_reduction <add>, %convert_element_type3A_13, %reduce_sum3A_14 [1] : vector<2048x50xf32> to vector<2048xf32>
    %broadcast_in_dim3A_16 = vector.shape_cast %reduce_sum3A_15 : vector<2048xf32> to vector<2048x1xf32>
    %get3A_17 = arith.constant 0 : index
    %get3A_18 = arith.constant 0 : index
    %get3A_19 = vector.load %arg2[%get3A_17, %get3A_18] : memref<2048x64xf32, #tpu.memory_space<vmem>>, vector<2048x64xf32>
    %jit3A = arith.constant 9.99999971E-10 : f32
    %max3A = vector.broadcast %jit3A : f32 to vector<2048x1xf32>
    %max3A_20 = arith.maximumf %max3A, %broadcast_in_dim3A : vector<2048x1xf32>
    %div3A = vector.broadcast %max3A_20 : vector<2048x1xf32> to vector<2048x64xf32>
    %div3A_21 = arith.divf %get3A_19, %div3A : vector<2048x64xf32>
    %get3A_22 = arith.constant 0 : index
    %get3A_23 = arith.constant 0 : index
    %get3A_24 = vector.load %arg4[%get3A_22, %get3A_23] : memref<2048x64xf32, #tpu.memory_space<vmem>>, vector<2048x64xf32>
    %jit3A_25 = arith.constant 9.99999971E-10 : f32
    %max3A_26 = vector.broadcast %jit3A_25 : f32 to vector<2048x1xf32>
    %max3A_27 = arith.maximumf %max3A_26, %broadcast_in_dim3A_16 : vector<2048x1xf32>
    %div3A_28 = vector.broadcast %max3A_27 : vector<2048x1xf32> to vector<2048x64xf32>
    %div3A_29 = arith.divf %get3A_24, %div3A_28 : vector<2048x64xf32>
    %get3A_30 = arith.constant 0 : index
    %get3A_31 = arith.constant 0 : index
    %get3A_32 = vector.load %arg8[%get3A_30, %get3A_31] : memref<208x128xf32, #tpu.memory_space<vmem>>, vector<208x128xf32>
    %get3A_33 = arith.constant 0 : index
    %get3A_34 = arith.constant 0 : index
    %get3A_35 = vector.load %arg1[%get3A_33, %get3A_34] : memref<2048x128xf32, #tpu.memory_space<vmem>>, vector<2048x128xf32>
    %get3A_36 = arith.constant 0 : index
    %get3A_37 = arith.constant 0 : index
    %get3A_38 = vector.load %arg7[%get3A_36, %get3A_37] : memref<2048x1xf32, #tpu.memory_space<vmem>>, vector<2048x1xf32>
    %gt3A = arith.constant 5.000000e-01 : f32
    %gt3A_39 = vector.broadcast %gt3A : f32 to vector<2048x1xf32>
    %gt3A_40 = arith.cmpf ogt, %get3A_38, %gt3A_39 : vector<2048x1xf32>
    %slice3A = vector.extract_strided_slice %get3A_35 {offsets = [0, 64], sizes = [2048, 64], strides = [1, 1]} : vector<2048x128xf32> to vector<2048x64xf32>
    %slice3A_41 = vector.extract_strided_slice %get3A_35 {offsets = [0, 0], sizes = [2048, 64], strides = [1, 1]} : vector<2048x128xf32> to vector<2048x64xf32>
    %broadcast_in_dim3A_42 = vector.shape_cast %gt3A_40 : vector<2048x1xi1> to vector<2048x1xi1>
    %broadcast_in_dim3A_43 = vector.broadcast %broadcast_in_dim3A_42 : vector<2048x1xi1> to vector<2048x64xi1>
    %select_n3A = arith.select %broadcast_in_dim3A_43, %slice3A, %slice3A_41 : vector<2048x64xi1>, vector<2048x64xf32>
    %slice3A_44 = vector.extract_strided_slice %get3A_32 {offsets = [0, 0], sizes = [64, 128], strides = [1, 1]} : vector<208x128xf32> to vector<64x128xf32>
    %dot_general3A = arith.constant dense<0.000000e+00> : vector<2048x128xf32>
    %dot_general3A_45 = tpu.matmul %select_n3A, %slice3A_44, %dot_general3A {dimension_numbers = #tpu.dot_dimension_numbers<[1], [0], [0], [1], [0, 0, 1, 1], [], []>, transpose_lhs_hint = false} : vector<2048x64xf32>, vector<64x128xf32>, vector<2048x128xf32> -> vector<2048x128xf32>
    %slice3A_46 = vector.extract_strided_slice %get3A_32 {offsets = [64, 0], sizes = [64, 128], strides = [1, 1]} : vector<208x128xf32> to vector<64x128xf32>
    %dot_general3A_47 = arith.constant dense<0.000000e+00> : vector<2048x128xf32>
    %dot_general3A_48 = tpu.matmul %div3A_21, %slice3A_46, %dot_general3A_47 {dimension_numbers = #tpu.dot_dimension_numbers<[1], [0], [0], [1], [0, 0, 1, 1], [], []>, transpose_lhs_hint = false} : vector<2048x64xf32>, vector<64x128xf32>, vector<2048x128xf32> -> vector<2048x128xf32>
    %add3A = arith.addf %dot_general3A_45, %dot_general3A_48 : vector<2048x128xf32>
    %get3A_49 = arith.constant 0 : index
    %get3A_50 = arith.constant 0 : index
    %get3A_51 = vector.load %arg3[%get3A_49, %get3A_50] : memref<2048x128xf32, #tpu.memory_space<vmem>>, vector<2048x16xf32>
    %slice3A_52 = vector.extract_strided_slice %get3A_32 {offsets = [128, 0], sizes = [16, 128], strides = [1, 1]} : vector<208x128xf32> to vector<16x128xf32>
    %dot_general3A_53 = arith.constant dense<0.000000e+00> : vector<2048x128xf32>
    %dot_general3A_54 = tpu.matmul %get3A_51, %slice3A_52, %dot_general3A_53 {dimension_numbers = #tpu.dot_dimension_numbers<[1], [0], [0], [1], [0, 0, 1, 1], [], []>, transpose_lhs_hint = false} : vector<2048x16xf32>, vector<16x128xf32>, vector<2048x128xf32> -> vector<2048x128xf32>
    %add3A_55 = arith.addf %add3A, %dot_general3A_54 : vector<2048x128xf32>
    %slice3A_56 = vector.extract_strided_slice %get3A_32 {offsets = [144, 0], sizes = [64, 128], strides = [1, 1]} : vector<208x128xf32> to vector<64x128xf32>
    %dot_general3A_57 = arith.constant dense<0.000000e+00> : vector<2048x128xf32>
    %dot_general3A_58 = tpu.matmul %div3A_29, %slice3A_56, %dot_general3A_57 {dimension_numbers = #tpu.dot_dimension_numbers<[1], [0], [0], [1], [0, 0, 1, 1], [], []>, transpose_lhs_hint = false} : vector<2048x64xf32>, vector<64x128xf32>, vector<2048x128xf32> -> vector<2048x128xf32>
    %add3A_59 = arith.addf %add3A_55, %dot_general3A_58 : vector<2048x128xf32>
    %get3A_60 = arith.constant 0 : index
    %get3A_61 = arith.constant 0 : index
    %get3A_62 = vector.load %arg9[%get3A_60, %get3A_61] : memref<1x128xf32, #tpu.memory_space<vmem>>, vector<1x128xf32>
    %add3A_63 = vector.broadcast %get3A_62 : vector<1x128xf32> to vector<2048x128xf32>
    %add3A_64 = arith.addf %add3A_59, %add3A_63 : vector<2048x128xf32>
    %max3A_65 = arith.constant 0.000000e+00 : f32
    %max3A_66 = vector.broadcast %max3A_65 : f32 to vector<2048x128xf32>
    %max3A_67 = arith.maximumf %add3A_64, %max3A_66 : vector<2048x128xf32>
    %get3A_68 = arith.constant 0 : index
    %get3A_69 = arith.constant 0 : index
    %get3A_70 = vector.load %arg10[%get3A_68, %get3A_69] : memref<128x64xf32, #tpu.memory_space<vmem>>, vector<128x64xf32>
    %dot_general3A_71 = arith.constant dense<0.000000e+00> : vector<2048x64xf32>
    %dot_general3A_72 = tpu.matmul %max3A_67, %get3A_70, %dot_general3A_71 {dimension_numbers = #tpu.dot_dimension_numbers<[1], [0], [0], [1], [0, 0, 1, 1], [], []>, transpose_lhs_hint = false} : vector<2048x128xf32>, vector<128x64xf32>, vector<2048x64xf32> -> vector<2048x64xf32>
    %get3A_73 = arith.constant 0 : index
    %get3A_74 = arith.constant 0 : index
    %get3A_75 = vector.load %arg11[%get3A_73, %get3A_74] : memref<1x64xf32, #tpu.memory_space<vmem>>, vector<1x64xf32>
    %add3A_76 = vector.broadcast %get3A_75 : vector<1x64xf32> to vector<2048x64xf32>
    %add3A_77 = arith.addf %dot_general3A_72, %add3A_76 : vector<2048x64xf32>
    %max3A_78 = arith.constant 0.000000e+00 : f32
    %max3A_79 = vector.broadcast %max3A_78 : f32 to vector<2048x64xf32>
    %max3A_80 = arith.maximumf %add3A_77, %max3A_79 : vector<2048x64xf32>
    %get3A_81 = arith.constant 0 : index
    %get3A_82 = arith.constant 0 : index
    %get3A_83 = vector.load %arg12[%get3A_81, %get3A_82] : memref<64x64xf32, #tpu.memory_space<vmem>>, vector<64x64xf32>
    %dot_general3A_84 = arith.constant dense<0.000000e+00> : vector<2048x64xf32>
    %dot_general3A_85 = tpu.matmul %max3A_80, %get3A_83, %dot_general3A_84 {dimension_numbers = #tpu.dot_dimension_numbers<[1], [0], [0], [1], [0, 0, 1, 1], [], []>, transpose_lhs_hint = false} : vector<2048x64xf32>, vector<64x64xf32>, vector<2048x64xf32> -> vector<2048x64xf32>
    %get3A_86 = arith.constant 0 : index
    %get3A_87 = arith.constant 0 : index
    %get3A_88 = vector.load %arg13[%get3A_86, %get3A_87] : memref<1x64xf32, #tpu.memory_space<vmem>>, vector<1x64xf32>
    %add3A_89 = vector.broadcast %get3A_88 : vector<1x64xf32> to vector<2048x64xf32>
    %add3A_90 = arith.addf %dot_general3A_85, %add3A_89 : vector<2048x64xf32>
    %swap3A = arith.constant 0 : index
    %swap3A_91 = arith.constant 0 : index
    %swap3A_92 = vector.load %arg14[%swap3A, %swap3A_91] : memref<2048x64xf32, #tpu.memory_space<vmem>>, vector<2048x64xf32>
    tpu.vector_store %arg14[%swap3A, %swap3A_91], %add3A_90 {strides = array<i32>} : memref<2048x64xf32, #tpu.memory_space<vmem>>, vector<2048x64xf32>,
    return
  }
  func.func @transform_0(%arg0: i32) -> (i32, i32) {
    %c0_i32 = arith.constant 0 : i32
    %c0_i32_0 = arith.constant 0 : i32
    return %arg0, %c0_i32 : i32, i32
  }
  func.func @transform_1(%arg0: i32) -> (i32, i32) {
    %c0_i32 = arith.constant 0 : i32
    %c0_i32_0 = arith.constant 0 : i32
    return %arg0, %c0_i32 : i32, i32
  }
  func.func @transform_2(%arg0: i32) -> (i32, i32) {
    %c0_i32 = arith.constant 0 : i32
    %c0_i32_0 = arith.constant 0 : i32
    return %arg0, %c0_i32 : i32, i32
  }
  func.func @transform_3(%arg0: i32) -> (i32, i32) {
    %c0_i32 = arith.constant 0 : i32
    %c0_i32_0 = arith.constant 0 : i32
    return %arg0, %c0_i32 : i32, i32
  }
  func.func @transform_4(%arg0: i32) -> (i32, i32) {
    %c0_i32 = arith.constant 0 : i32
    %c0_i32_0 = arith.constant 0 : i32
    return %arg0, %c0_i32 : i32, i32
  }
  func.func @transform_5(%arg0: i32) -> (i32, i32) {
    %c0_i32 = arith.constant 0 : i32
    %c0_i32_0 = arith.constant 0 : i32
    return %arg0, %c0_i32 : i32, i32
  }
  func.func @transform_6(%arg0: i32) -> (i32, i32) {
    %c0_i32 = arith.constant 0 : i32
    %c0_i32_0 = arith.constant 0 : i32
    return %arg0, %c0_i32 : i32, i32
  }
  func.func @transform_7(%arg0: i32) -> (i32, i32) {
    %c0_i32 = arith.constant 0 : i32
    %c0_i32_0 = arith.constant 0 : i32
    %c0_i32_1 = arith.constant 0 : i32
    return %c0_i32, %c0_i32_0 : i32, i32
  }
  func.func @transform_8(%arg0: i32) -> (i32, i32) {
    %c0_i32 = arith.constant 0 : i32
    %c0_i32_0 = arith.constant 0 : i32
    %c0_i32_1 = arith.constant 0 : i32
    return %c0_i32, %c0_i32_0 : i32, i32
  }
  func.func @transform_9(%arg0: i32) -> (i32, i32) {
    %c0_i32 = arith.constant 0 : i32
    %c0_i32_0 = arith.constant 0 : i32
    %c0_i32_1 = arith.constant 0 : i32
    return %c0_i32, %c0_i32_0 : i32, i32
  }
  func.func @transform_10(%arg0: i32) -> (i32, i32) {
    %c0_i32 = arith.constant 0 : i32
    %c0_i32_0 = arith.constant 0 : i32
    %c0_i32_1 = arith.constant 0 : i32
    return %c0_i32, %c0_i32_0 : i32, i32
  }
  func.func @transform_11(%arg0: i32) -> (i32, i32) {
    %c0_i32 = arith.constant 0 : i32
    %c0_i32_0 = arith.constant 0 : i32
    %c0_i32_1 = arith.constant 0 : i32
    return %c0_i32, %c0_i32_0 : i32, i32
  }
  func.func @transform_12(%arg0: i32) -> (i32, i32) {
    %c0_i32 = arith.constant 0 : i32
    %c0_i32_0 = arith.constant 0 : i32
    %c0_i32_1 = arith.constant 0 : i32
    return %c0_i32, %c0_i32_0 : i32, i32
  }
  func.func @transform_13(%arg0: i32) -> (i32, i32) {
    %c0_i32 = arith.constant 0 : i32
    %c0_i32_0 = arith.constant 0 : i32
    return %arg0, %c0_i32 : i32, i32
  }
}

</mosaic_0001>

<sc_bundles>
// kernel: kernel.5.cloned.1.call-start
scs
__scs_entry_jumppad:
0x0: {  	(pc) =	sbr.rel $0x88, $3  }
0x1: {  	(tag) =	ssettag $0x0;
	lr =	simm.s32 $0x1  }
0x2: {  	[smem:$0x3F93] =	sst lr;
	_ =	strace $0xD0000000  }
0x3: {  	_ = 	snop  }
0x4: {  	_ = 	snop  }
0x5: {  	_ = 	snop  }
0x6: {  	_ = 	snop  }
0x7: {  	_ = 	snop  }
__scs_overlays_trampoline_lowered:
0x8: {  	[smem:$0x3FA2] =	sst s0  }
0x9: {  	[smem:$0x3FA3] =	sst s1  }
0xa: {  	[smem:$0x3FA4] =	sst s2  }
0xb: {  	[smem:$0x3FA5] =	sst s3  }
0xc: {  	[smem:$0x3FA6] =	sst s4  }
0xd: {  	[smem:$0x3FA7] =	sst s5  }
0xe: {  	[smem:$0x3FA8] =	sst s6  }
0xf: {  	[smem:$0x3FA9] =	sst s7  }
0x10: {  	[smem:$0x3FAA] =	sst s8  }
0x11: {  	[smem:$0x3FAB] =	sst s9;
	s0 =	simm.s32 @!p0 $0x0  }
0x12: {  	s1 =	sld [smem:$0x3F91];
	s0 =	simm.s32 @p0 $0x1  }
0x13: {  	[smem:$0x3FAC] =	sst s0;
	s0 =	simm.s32 @!p1 $0x0  }
0x14: {  	s2 =	sld [smem:$0x3F90];
	s0 =	simm.s32 @p1 $0x1  }
0x15: {  	[smem:$0x3FAD] =	sst s0;
	s0 =	simm.s32 @!p2 $0x0  }
0x16: {  	s3 =	sld [smem:$0x3FDB];
	s0 =	simm.s32 @p2 $0x1  }
0x17: {  	s4 =	simm.s32 $0x1BF5;
	[smem:$0x3FAF] =	sst s0  }
0x18: {  	s0 =	sld [smem:$0x3F92];
	_ =	swait.ge [sflag:s4], $0x0  }
0x19: {  	s7 =	sld [smem:$0x3F93]  }
0x1a: {  	s8 =	sadd.s32 $0xFFFFE003, lr  }
0x1b: {  	s9 =	sadd.s32 $0xFFFFFEF7, lr;
	s5 =	simm.s32 $0xFFFFFFFF;
	p2 =	slt.u32 s8, $0xFFFFF086  }
0x1c: {  	p1 =	slt.u32 s9, $0xF7A;
	s5 =	simm.s32 @!p2 $0x0  }
0x1d: {  	s5 =	simm.s32 @p1 $0x1;
	p0 =	seq.s32 s7, s2  }
0x1e: {  	s7 =	smul.u32 @!p0 $0xF7A, s2;
	p2 =	seq.s32 @!p0 s5, $0x0  }
0x1f: {  	s9 =	smul.u32 $0xF7A, s1;
	s8 =	simm.s32 @!p0 $0x1BF5;
	p2 =	por !p2, p0  }
0x20: {  	[sflag:s8] =	ssyncset.s32 @!p0 $0xFFFFF086;
	s6 =	sadd.s32 @!p0 s3, s7;
	s7 =	simm.s32 @!p0 $0x108  }
0x21: {  	s3 =	sadd.s32 s3, s9;
	s6 =	sadd.s32 @!p0 $0x88, s6;
	s7 =	simm.s32 @p2 $0x1082  }
0x22: {  	[simem:s7], [sflag:s8] =	dma.local @!p0 [hbm:s6], $0xF7A  }
0x23: {  	s9 =	sor.u32 $0xD0000000, s2;
	s6 =	simm.s32 $0x108;
	_ =	swait.ge @!p0 [sflag:s8], $0x0  }
0x24: {  	s3 =	sadd.s32 $0x88, s3;
	s6 =	simm.s32 @!p1 $0x1082;
	[sflag:s4] =	ssyncset.s32 $0xFFFFF086  }
0x25: {  	[simem:s6], [sflag:s4] =	dma.local [hbm:s3], $0xF7A  }
0x26: {  	[smem:$0x3F93] =	sst s1;
	(tag) =	ssettag s2;
	_ =	strace s9  }
0x27: {  	s1 =	sld [smem:$0x3FA3]  }
0x28: {  	s2 =	sld [smem:$0x3FA4]  }
0x29: {  	s4 =	sld [smem:$0x3FA6]  }
0x2a: {  	p0 =	seq.s32 s5, $0x0;
	s5 =	sld [smem:$0x3FA7]  }
0x2b: {  	s6 =	sld [smem:$0x3FA8]  }
0x2c: {  	s7 =	sld [smem:$0x3FA9]  }
0x2d: {  	s3 =	simm.s32 $0x108;
	s8 =	sld [smem:$0x3FAA]  }
0x2e: {  	s3 =	simm.s32 @!p0 $0x1082;
	s9 =	sld [smem:$0x3FAB]  }
0x2f: {  	lr =	sadd.s32 s0, s3;
	s0 =	sld [smem:$0x3FA2]  }
0x30: {  	s3 =	sld [smem:$0x3FA5]  }
0x31: {  	[smem:$0x3FAE] =	sst s10  }
0x32: {  	s10 =	sld [smem:$0x3FAC];
	_ =	sdelay $0x3  }
0x33: {  	p0 =	seq.s32 s10, $0x1;
	s10 =	sld [smem:$0x3FAE];
	_ =	sdelay $0x3  }
0x34: {  	[smem:$0x3FAE] =	sst s10  }
0x35: {  	s10 =	sld [smem:$0x3FAD];
	_ =	sdelay $0x3  }
0x36: {  	p1 =	seq.s32 s10, $0x1;
	s10 =	sld [smem:$0x3FAE];
	_ =	sdelay $0x3  }
0x37: {  	[smem:$0x3FAE] =	sst s10  }
0x38: {  	s10 =	sld [smem:$0x3FAF]  }
0x39: {  	_ = 	snop;
	(pc) =	sbr.ind lr, $3  }
0x3a: {  	_ = 	snop  }
0x3b: {  	_ = 	snop  }
0x3c: {  	p2 =	seq.s32 s10, $0x1;
	s10 =	sld [smem:$0x3FAE]  }
0x3d: {  	_ =	shalt  }
0x3e: {  	_ =	shalt  }
0x3f: {  	_ =	shalt  }
0x40: {  	_ =	shalt  }
0x41: {  	_ =	shalt  }
0x42: {  	_ =	shalt  }
0x43: {  	_ =	shalt  }
0x44: {  	_ =	shalt  }
0x45: {  	_ =	shalt  }
0x46: {  	_ =	shalt  }
0x47: {  	_ =	shalt  }
0x48: {  	_ =	shalt  }
0x49: {  	_ =	shalt  }
0x4a: {  	_ =	shalt  }
0x4b: {  	_ =	shalt  }
0x4c: {  	_ =	shalt  }
0x4d: {  	_ =	shalt  }
0x4e: {  	_ =	shalt  }
0x4f: {  	_ =	shalt  }
0x50: {  	_ =	shalt  }
0x51: {  	_ =	shalt  }
0x52: {  	_ =	shalt  }
0x53: {  	_ =	shalt  }
0x54: {  	_ =	shalt  }
0x55: {  	_ =	shalt  }
0x56: {  	_ =	shalt  }
0x57: {  	_ =	shalt  }
0x58: {  	_ =	shalt  }
0x59: {  	_ =	shalt  }
0x5a: {  	_ =	shalt  }
0x5b: {  	_ =	shalt  }
0x5c: {  	_ =	shalt  }
0x5d: {  	_ =	shalt  }
0x5e: {  	_ =	shalt  }
0x5f: {  	_ =	shalt  }
0x60: {  	_ =	shalt  }
0x61: {  	_ =	shalt  }
0x62: {  	_ =	shalt  }
0x63: {  	_ =	shalt  }
0x64: {  	_ =	shalt  }
0x65: {  	_ =	shalt  }
0x66: {  	_ =	shalt  }
0x67: {  	_ =	shalt  }
0x68: {  	_ =	shalt  }
0x69: {  	_ =	shalt  }
0x6a: {  	_ =	shalt  }
0x6b: {  	_ =	shalt  }
0x6c: {  	_ =	shalt  }
0x6d: {  	_ =	shalt  }
0x6e: {  	_ =	shalt  }
0x6f: {  	_ =	shalt  }
0x70: {  	_ =	shalt  }
0x71: {  	_ =	shalt  }
0x72: {  	_ =	shalt  }
0x73: {  	_ =	shalt  }
0x74: {  	_ =	shalt  }
0x75: {  	_ =	shalt  }
0x76: {  	_ =	shalt  }
0x77: {  	_ =	shalt  }
0x78: {  	_ =	shalt  }
0x79: {  	_ =	shalt  }
0x7a: {  	_ =	shalt  }
0x7b: {  	_ =	shalt  }
0x7c: {  	_ =	shalt  }
0x7d: {  	_ =	shalt  }
0x7e: {  	_ =	shalt  }
0x7f: {  	_ =	shalt  }
0x80: {  	_ =	shalt  }
0x81: {  	_ =	shalt  }
0x82: {  	_ =	shalt  }
0x83: {  	_ =	shalt  }
0x84: {  	_ =	shalt  }
0x85: {  	_ =	shalt  }
0x86: {  	_ =	shalt  }
0x87: {  	_ =	shalt  }
.Lfunc_end0:
.L_simem_size_0:
called_computation_lowered:
.L_overlay_start_0:
0x88: {  	s2 =	sld [smem:$0x3FD9]  }
0x89: {  	s3 =	sld [smem:$0x3FFE];
	_ =	sdelay $0x1  }
0x8a: {  	s1 =	srdreg.scid  }
0x8b: {  	s0 =	sand.u32 $0x1, s1  }
0x8c: {  	s17 =	sshll.u32 s0, $0xA;
	s2 =	sadd.s32 s3, s2  }
0x8d: {  	s2 =	sadd.s32 s2, s17  }
0x8e: {  	[smem:$0x3FBA] =	sst s2  }
0x8f: {  	_ = 	snop  }
0x90: {  	s2 =	sld [smem:$0x3FD0];
	(tm) =	ssettm $0x1  }
0x91: {  	s18 =	sld [smem:$0x3FFB];
	_ =	sdelay $0x3  }
0x92: {  	_ =	strace s18  }
0x93: {  	s3 =	sld [smem:$0x3FFC];
	_ =	sdelay $0x3  }
0x94: {  	_ =	strace s3  }
0x95: {  	s3 =	sld [smem:$0x3FFD];
	_ =	sdelay $0x3  }
0x96: {  	_ =	strace s3  }
0x97: {  	_ =	strace $0x8FFFFFFF  }
0x98: {  	s19 =	sld [smem:$0x3FDB];
	_ =	sdelay $0x1  }
0x99: {  	s4 =	simm.s32 $_scs_section_size  }
0x9a: {  	s5 =	simm.s32 $_size__tile_overlayer_lowered;
	s6 =	simm.s32 $_tile_overlayer_lowered  }
0x9b: {  	s22 =	simm.s32 $0x1BFF;
	s21 =	sshll.u32 s6, $0x1;
	s3 =	sadd.s32 s4, s19  }
0x9c: {  	s7 =	simm.s32 $0x0;
	s20 =	sshll.u32 s5, $0x1;
	s5 =	sadd.s32 s21, s3  }
0x9d: {  	[timem:s7], [sflag:s22] =	dma.local [hbm:s5], s20  }
0x9e: {  	_ =	swait.ge [sflag:s22], s20  }
0x9f: {  	s4 =	ssub.s32 $0x0, s20;
	[sflag:s22] =	ssyncset.done $0x0  }
0xa0: {  	[sflag:s22] =	ssyncadd.s32 s4;
	_ =	sdelay $0x1  }
0xa1: {  	s23 =	simm.s32 $0x1B8B  }
0xa2: {  	_ =	swait.ge [sflag:s23], $0x1  }
0xa3: {  	[sflag:s23] =	ssyncset.done $0x0  }
0xa4: {  	s25 =	simm.s32 $0x1B8E;
	s24 =	sld [smem:$0x3FFE];
	[sflag:s23] =	ssyncadd.s32 $0xFFFFFFFF  }
0xa5: {  	s26 =	simm.s32 $execute0_lowered;
	[smem:$0x3FD2] =	sst s25  }
0xa6: {  	s5 =	sshll.u32 s26, $0x1;
	_ =	strace $0x80000046;
	[dreg:$0x1] =	wrdreg $0xFFFFFFFF  }
0xa7: {  	s28 =	simm.s32 $_size_execute0_lowered;
	s3 =	sadd.s32 s3, s5;
	[dreg:$0x0] =	wrdreg $0x0  }
0xa8: {  	s5 =	sshll.u32 s28, $0x1;
	[dreg:$0x2] =	wrdreg s3  }
0xa9: {  	[dreg:$0x3] =	wrdreg s5  }
0xaa: {  	[dreg:$0x4] =	wrdreg $0xC0  }
0xab: {  	_ =	task [dreg:s7], $0x5FFFF  }
0xac: {  	[dreg:$0x1] =	wrdreg $0xFFFFFFFF  }
0xad: {  	[dreg:$0x0] =	wrdreg $0x60  }
0xae: {  	[dreg:$0x2] =	wrdreg s24  }
0xaf: {  	[dreg:$0x3] =	wrdreg s2  }
0xb0: {  	[dreg:$0x4] =	wrdreg $0x1A0000  }
0xb1: {  	[dreg:$0x5] =	wrdreg $0x190000  }
0xb2: {  	[dreg:$0x6] =	wrdreg $0x198000  }
0xb3: {  	[dreg:$0x7] =	wrdreg $0x9  }
0xb4: {  	_ =	task.clear_ibuf [dreg:s7], $0x8FFFF;
	_ =	strace $0x90000046  }
0xb5: {  	s29 =	simm.s32 $0x9;
	_ =	strace $0x80000048  }
0xb6: {  	_ =	swait.ge [sflag:s29], $0x1  }
0xb7: {  	[sflag:s29] =	ssyncadd.s32 $0xFFFFFFFF  }
0xb8: {  	_ =	strace $0x90000048  }
0xb9: {  	_ =	sfence  }
0xba: {  	s30 =	sld [smem:$0x0];
	_ =	sdelay $0x2  }
0xbb: {  	s31 =	sshll.u32 s1, $0xD;
	s1 =	sshrl.u32 s1, $0x2  }
0xbc: {  	s3 =	sand.u32 $0x4000, s31;
	s1 =	sadd.s32 s1, s30  }
0xbd: {  	s0 =	sor.u32 s3, s0;
	s1 =	sshll.u32 s1, $0x11  }
0xbe: {  	s0 =	sor.u32 s1, s0  }
0xbf: {  	s0 =	sadd.s32 $0x8F2B, s0  }
0xc0: {  	[sflag:s0] =	ssyncadd.remote.s32 $0x1  }
0xc1: {  	_ =	sfence.sel $0xFFFF  }
0xc2: {  	[dreg:$0x0] =	wrdreg $0xFFFFFFFF;
	(pc) =	sbr.abs _section_cstart, $3  }
0xc3: {  	[dreg:$0x1] =	wrdreg $0xFFFFFFFF  }
0xc4: {  	_ =	task.clear_ibuf [dreg:s7], $0x2FFFF;
	_ =	strace $0x9FFFFFFF  }
0xc5: {  	(tm) =	ssettm $0x7FFFFFFF  }
tec
execute0_lowered:
.L_overlay_start_1:
0x0: {  	(tag) =	ssettag $0x1  }
0x1: {  	s0 =	rddreg [dreg:$0x0]  }
0x2: {  	s2 =	rddreg [dreg:$0x1]  }
0x3: {  	s1 =	rddreg [dreg:$0x2]  }
0x4: {  	s3 =	srdreg.scid;
	s9 =	rddreg [dreg:$0x3]  }
0x5: {  	s4 =	stileid.u32;
	s11 =	rddreg [dreg:$0x4]  }
0x6: {  	s18 =	simm.s32 $0x1C2E0;
	s19 =	simm.s32 $0x1AFA0;
	s22 =	simm.s32 $0x1B7A0  }
0x7: {  	s23 =	simm.s32 $0x1BA20;
	s24 =	simm.s32 $0x280;
	s25 =	simm.s32 $0x640  }
0x8: {  	s26 =	simm.s32 $0x0;
	s10 =	sand.u32 $0x1, s3;
	s5 =	smul.u32 $0x5000, s4  }
0x9: {  	s3 =	simm.s32 $0x0;
	s7 =	smul.u32 $0xC800, s4;
	s12 =	sadd.s32 $0x3400, s0  }
0xa: {  	s13 =	sshll.u32 s4, $0xD;
	s29 =	sshll.u32 s4, $0xB;
	s31 =	sshll.u32 s4, $0x6  }
0xb: {  	s21 =	sshrl.u32 s1, $0x3;
	s6 =	smul.u32 $0x2800, s10;
	[smem:$0x7FF] =	sst s3  }
0xc: {  	s8 =	smul.u32 $0x6400, s10;
	s28 =	ssub.s32 $0x2, s10;
	s17 =	sshll.u32 s10, $0xC  }
0xd: {  	s9 =	sadd.s32 s29, s9;
	s10 =	sadd.s32 s29, s11;
	s30 =	sadd.s32 s13, s2  }
0xe: {  	s20 =	sor.u32 $0x1C01, s31;
	_ =	strace $0x80000047;
	[dreg:$0x6] =	wrdreg s12  }
0xf: {  	s16 =	sshrl.u32 s28, $0x1;
	s6 =	sadd.s32 s6, s5;
	s7 =	sadd.s32 s8, s7  }
0x10: {  	s5 =	sadd.s32 $0x18BE00, s0;
	s8 =	sadd.s32 $0xA8400, s0;
	s12 =	ssub.s32 s28, s16  }
0x11: {  	s16 =	simm.s32 $0x1C060;
	s6 =	sshrl.u32 s6, $0x3;
	s7 =	sshrl.u32 s7, $0x3  }
0x12: {  	s11 =	smax.u32 s12, $0x1;
	s15 =	sadd.s32 s6, s0;
	s14 =	sadd.s32 s7, s0  }
0x13: {  	s6 =	sadd.s32 $0x3000, s0;
	s7 =	sadd.s32 $0x3200, s0;
	s0 =	sadd.s32 s13, s0  }
0x14: {  	s13 =	sadd.s32 s17, s30;
	s0 =	sadd.s32 s17, s0;
	s14 =	sadd.s32 $0x8F400, s14  }
0x15: {  	s2 =	sadd.s32 $0x45400, s15;
	s17 =	simm.s32 $0x1;
	s12 =	sadd.s32 $0xA8600, s0  }
.LBB2_1:
0x16: {  	[tilespmem:s16], [sflag:$0x1] =	stream.linear.gather [hbm4b:s6+s3], $0x280, $0x38;
	[tilespmem:$0x1C920] =	vst v63  }
0x17: {  	_ =	swait.ge [sflag:s17], $0x280  }
0x18: {  	[sflag:s17] =	ssyncset.done $0x0  }
0x19: {  	[sflag:s17] =	ssyncadd.s32 $0xFFFFFD80  }
0x1a: {  	[tilespmem:s18], [sflag:$0x1] =	stream.linear.gather [hbm4b:s7+s3], $0x640, $0x38;
	[tilespmem:$0x1C920] =	vst v63  }
0x1b: {  	_ =	swait.ge [sflag:s17], $0x640  }
0x1c: {  	[sflag:s17] =	ssyncset.done $0x0  }
0x1d: {  	[sflag:s17] =	ssyncadd.s32 $0xFFFFF9C0  }
0x1e: {  	[tilespmem:s19], [sflag:$0x1] =	stream.linear.gather [hbm4b:s8+s3], $0x800, $0x38;
	[tilespmem:$0x1C920] =	vst v63  }
0x1f: {  	_ =	swait.ge [sflag:s17], $0x800  }
0x20: {  	[sflag:s17] =	ssyncset.done $0x0  }
0x21: {  	s0 =	rddreg [dreg:$0x6];
	[sflag:s17] =	ssyncadd.s32 $0xFFFFF800  }
0x22: {  	[spmem:s21], [sflag:s20] =	dma.local [hbm:s0], $0x1F40  }
0x23: {  	_ =	swait.ge [sflag:s17], $0x1F40  }
0x24: {  	[sflag:s17] =	ssyncset.done $0x0  }
0x25: {  	[sflag:s17] =	ssyncadd.s32 $0xFFFFE0C0  }
0x26: {  	[tilespmem:s22], [sflag:$0x1] =	stream.linear.gather [hbm4b:s2+s3], $0x280, $0x38;
	[tilespmem:$0x1C920] =	vst v63  }
0x27: {  	_ =	swait.ge [sflag:s17], $0x280  }
0x28: {  	[sflag:s17] =	ssyncset.done $0x0  }
0x29: {  	[sflag:s17] =	ssyncadd.s32 $0xFFFFFD80  }
0x2a: {  	[tilespmem:s23], [sflag:$0x1] =	stream.linear.gather [hbm4b:s14+s3], $0x640, $0x38;
	[tilespmem:$0x1C920] =	vst v63  }
0x2b: {  	_ =	swait.ge [sflag:s17], $0x640  }
0x2c: {  	[sflag:s17] =	ssyncset.done $0x0  }
0x2d: {  	[sflag:s17] =	ssyncadd.s32 $0xFFFFF9C0  }
0x2e: {  	[spmem:s9] =	stream.linear.scatter [tilespmem:s19], [sflag:$0x1], $0x800, $0x38;
	[tilespmem:$0x1C920] =	vst v63  }
0x2f: {  	_ =	swait.ge [sflag:s17], $0x800  }
0x30: {  	[sflag:s17] =	ssyncset.done $0x0  }
0x31: {  	[sflag:s17] =	ssyncadd.s32 $0xFFFFF800  }
0x32: {  	[tilespmem:s3], [sflag:$0x1] =	stream.indirect.gather [spmem:s1], $0x40, s22, s24, $0xb8;
	[tilespmem:$0x1C920] =	vst v63  }
0x33: {  	_ =	swait.ge [sflag:s17], $0xA000  }
0x34: {  	[sflag:s17] =	ssyncset.done $0x0  }
0x35: {  	[sflag:s17] =	ssyncadd.s32 $0xFFFF6000  }
0x36: {  	[spmem:s9] =	stream.indirect.scatter.add.f32 [tilespmem:s3], [sflag:$0x1], $0x40, s16, s24, $0xb8;
	[tilespmem:$0x1C920] =	vst v63  }
0x37: {  	_ =	swait.ge [sflag:s17], $0xA000  }
0x38: {  	[sflag:s17] =	ssyncset.done $0x0  }
0x39: {  	s4 =	sadd.s32 $0x0, s13;
	s28 =	sshrl.u32 s9, $0x3;
	[sflag:s17] =	ssyncadd.s32 $0xFFFF6000  }
0x3a: {  	[hbm:s4], [sflag:s20] =	dma.local [spmem:s28], $0x100  }
0x3b: {  	_ =	swait.ge [sflag:s17], $0x100  }
0x3c: {  	[sflag:s17] =	ssyncset.done $0x0  }
0x3d: {  	[sflag:s17] =	ssyncadd.s32 $0xFFFFFF00  }
0x3e: {  	[spmem:s10] =	stream.linear.scatter [tilespmem:s19], [sflag:$0x1], $0x800, $0x38;
	[tilespmem:$0x1C920] =	vst v63  }
0x3f: {  	_ =	swait.ge [sflag:s17], $0x800  }
0x40: {  	[sflag:s17] =	ssyncset.done $0x0  }
0x41: {  	[sflag:s17] =	ssyncadd.s32 $0xFFFFF800  }
0x42: {  	[tilespmem:s3], [sflag:$0x1] =	stream.indirect.gather [hbm4b:s5+s25], $0x40, s23, s25, $0xb8;
	[tilespmem:$0x1C920] =	vst v63  }
0x43: {  	_ =	swait.ge [sflag:s17], $0x19000  }
0x44: {  	[sflag:s17] =	ssyncset.done $0x0  }
0x45: {  	[sflag:s17] =	ssyncadd.s32 $0xFFFE7000  }
0x46: {  	[spmem:s10] =	stream.indirect.scatter.add.f32 [tilespmem:s3], [sflag:$0x1], $0x40, s18, s25, $0xb8;
	[tilespmem:$0x1C920] =	vst v63  }
0x47: {  	_ =	swait.ge [sflag:s17], $0x19000  }
0x48: {  	[sflag:s17] =	ssyncset.done $0x0  }
0x49: {  	s15 =	sadd.s32 $0x0, s12;
	s29 =	sshrl.u32 s10, $0x3;
	[sflag:s17] =	ssyncadd.s32 $0xFFFE7000  }
0x4a: {  	[hbm:s15], [sflag:s20] =	dma.local [spmem:s29], $0x100  }
0x4b: {  	s30 =	simm.s32 $0x100;
	_ =	swait.ge [sflag:s17], $0x100  }
0x4c: {  	s31 =	smov.u32 s14;
	s15 =	smov.u32 s2;
	[sflag:s17] =	ssyncset.done $0x0  }
.LBB2_2:
0x4d: {  	[sflag:s17] =	ssyncadd.s32 $0xFFFFFF00  }
0x4e: {  	s31 =	sadd.s32 $0xC8, s31;
	s15 =	sadd.s32 $0x50, s15;
	s0 =	smov.u32 s30  }
0x4f: {  	[tilespmem:s22], [sflag:$0x1] =	stream.linear.gather [hbm4b:s15+s3], $0x280, $0x38;
	[tilespmem:$0x1C920] =	vst v63  }
0x50: {  	p0 =	sne.s32 s30, $0xF00;
	s30 =	sadd.s32 $0x100, s30;
	_ =	swait.ge [sflag:s17], $0x280  }
0x51: {  	[sflag:s17] =	ssyncset.done $0x0  }
0x52: {  	[sflag:s17] =	ssyncadd.s32 $0xFFFFFD80  }
0x53: {  	[tilespmem:s23], [sflag:$0x1] =	stream.linear.gather [hbm4b:s31+s3], $0x640, $0x38;
	[tilespmem:$0x1C920] =	vst v63  }
0x54: {  	_ =	swait.ge [sflag:s17], $0x640  }
0x55: {  	[sflag:s17] =	ssyncset.done $0x0  }
0x56: {  	[sflag:s17] =	ssyncadd.s32 $0xFFFFF9C0  }
0x57: {  	[spmem:s9] =	stream.linear.scatter [tilespmem:s19], [sflag:$0x1], $0x800, $0x38;
	[tilespmem:$0x1C920] =	vst v63  }
0x58: {  	_ =	swait.ge [sflag:s17], $0x800  }
0x59: {  	[sflag:s17] =	ssyncset.done $0x0  }
0x5a: {  	[sflag:s17] =	ssyncadd.s32 $0xFFFFF800  }
0x5b: {  	[tilespmem:s3], [sflag:$0x1] =	stream.indirect.gather [spmem:s1], $0x40, s22, s24, $0xb8;
	[tilespmem:$0x1C920] =	vst v63  }
0x5c: {  	_ =	swait.ge [sflag:s17], $0xA000  }
0x5d: {  	[sflag:s17] =	ssyncset.done $0x0  }
0x5e: {  	[sflag:s17] =	ssyncadd.s32 $0xFFFF6000  }
0x5f: {  	[spmem:s9] =	stream.indirect.scatter.add.f32 [tilespmem:s3], [sflag:$0x1], $0x40, s16, s24, $0xb8;
	[tilespmem:$0x1C920] =	vst v63  }
0x60: {  	_ =	swait.ge [sflag:s17], $0xA000  }
0x61: {  	[sflag:s17] =	ssyncset.done $0x0  }
0x62: {  	s4 =	sadd.s32 s0, s13;
	[sflag:s17] =	ssyncadd.s32 $0xFFFF6000  }
0x63: {  	[hbm:s4], [sflag:s20] =	dma.local [spmem:s28], $0x100  }
0x64: {  	_ =	swait.ge [sflag:s17], $0x100  }
0x65: {  	[sflag:s17] =	ssyncset.done $0x0  }
0x66: {  	[sflag:s17] =	ssyncadd.s32 $0xFFFFFF00  }
0x67: {  	[spmem:s10] =	stream.linear.scatter [tilespmem:s19], [sflag:$0x1], $0x800, $0x38;
	[tilespmem:$0x1C920] =	vst v63  }
0x68: {  	_ =	swait.ge [sflag:s17], $0x800  }
0x69: {  	[sflag:s17] =	ssyncset.done $0x0  }
0x6a: {  	[sflag:s17] =	ssyncadd.s32 $0xFFFFF800  }
0x6b: {  	[tilespmem:s3], [sflag:$0x1] =	stream.indirect.gather [hbm4b:s5+s25], $0x40, s23, s25, $0xb8;
	[tilespmem:$0x1C920] =	vst v63  }
0x6c: {  	_ =	swait.ge [sflag:s17], $0x19000  }
0x6d: {  	[sflag:s17] =	ssyncset.done $0x0  }
0x6e: {  	[sflag:s17] =	ssyncadd.s32 $0xFFFE7000  }
0x6f: {  	[spmem:s10] =	stream.indirect.scatter.add.f32 [tilespmem:s3], [sflag:$0x1], $0x40, s18, s25, $0xb8;
	[tilespmem:$0x1C920] =	vst v63  }
0x70: {  	_ =	swait.ge [sflag:s17], $0x19000  }
.Ltmp0:
0x71: {  	[sflag:s17] =	ssyncset.done $0x0;
	(pc) =	sbr.rel @p0 .LBB2_2-.Ltmp0, $4  }
0x72: {  	s0 =	sadd.s32 s0, s12;
	[sflag:s17] =	ssyncadd.s32 $0xFFFE7000  }
0x73: {  	[hbm:s0], [sflag:s20] =	dma.local [spmem:s29], $0x100  }
0x74: {  	_ =	swait.ge [sflag:s17], $0x100  }
0x75: {  	[sflag:s17] =	ssyncset.done $0x0  }
0x76: {  	s26 =	sadd.s32 $0x1, s26  }
0x77: {  	p0 =	sne.s32 s26, s11  }
.Ltmp1:
0x78: {  	_ = 	snop;
	(pc) =	sbr.rel @p0 .LBB2_1-.Ltmp1, $2  }
0x79: {  	_ =	sdelay $0x2  }
0x7a: {  	[sflag:s17] =	ssyncadd.s32 $0xFFFFFF00  }
0x7b: {  	_ =	sfence.sel $0x180000  }
0x7c: {  	[bflag:$0x0] =	sbarrier.arrive $0xFFFF  }
0x7d: {  	_ =	strace $0x90000047  }
0x7e: {  	s0 =	stileid.u32;
	[bflag:$0x2] =	sbarrier.arrive $0xFFFF  }
0x7f: {  	p0 =	sne.s32 s0, $0x0;
	s0 =	rddreg [dreg:$0x5]  }
0x80: {  	s0 =	sadd.s32 @!p0 $0x100000, s0  }
0x81: {  	[sflag:s0] =	ssyncadd.tile.s32 @!p0 $0x1;
	_ =	shalt  }
.Lfunc_end2:
_tile_overlayer_lowered:
.L_overlay_start_2:
0x82: {  	(tag) =	ssettag $0x2  }
0x83: {  	s0 =	rddreg [dreg:$0x0];
	s2 =	stileid.u32  }
0x84: {  	s1 =	rddreg [dreg:$0x1];
	p0 =	sne.s32 s2, $0x0  }
0x85: {  	s3 =	rddreg [dreg:$0x2];
	[bflag:$0x3] =	sbarrier.arrive $0xFFFF;
	s2 =	simm.s32 @!p0 $0x1C01  }
0x86: {  	[timem:s3], [sflag:s2] =	dma.local @!p0 [hbm:s0], s1  }
0x87: {  	s0 =	simm.s32 @!p0 $0x1  }
0x88: {  	_ =	swait.ge @!p0 [sflag:s0], s1  }
0x89: {  	s1 =	ssub.s32 @!p0 $0x0, s1;
	[sflag:s0] =	ssyncset.done @!p0 $0x0  }
0x8a: {  	[sflag:s0] =	ssyncadd.s32 @!p0 s1  }
0x8b: {  	[bflag:$0x3] =	sbarrier.arrive $0xFFFF  }
0x8c: {  	_ =	shalt  }

// kernel: kernel.8.cloned.1.call-start
scs
__scs_entry_jumppad:
0x0: {  	(pc) =	sbr.rel $0x88, $3  }
0x1: {  	(tag) =	ssettag $0x0;
	lr =	simm.s32 $0x1  }
0x2: {  	[smem:$0x3F93] =	sst lr;
	_ =	strace $0xD0000000  }
0x3: {  	_ = 	snop  }
0x4: {  	_ = 	snop  }
0x5: {  	_ = 	snop  }
0x6: {  	_ = 	snop  }
0x7: {  	_ = 	snop  }
__scs_overlays_trampoline_lowered:
0x8: {  	[smem:$0x3FA2] =	sst s0  }
0x9: {  	[smem:$0x3FA3] =	sst s1  }
0xa: {  	[smem:$0x3FA4] =	sst s2  }
0xb: {  	[smem:$0x3FA5] =	sst s3  }
0xc: {  	[smem:$0x3FA6] =	sst s4  }
0xd: {  	[smem:$0x3FA7] =	sst s5  }
0xe: {  	[smem:$0x3FA8] =	sst s6  }
0xf: {  	[smem:$0x3FA9] =	sst s7  }
0x10: {  	[smem:$0x3FAA] =	sst s8  }
0x11: {  	[smem:$0x3FAB] =	sst s9;
	s0 =	simm.s32 @!p0 $0x0  }
0x12: {  	s1 =	sld [smem:$0x3F91];
	s0 =	simm.s32 @p0 $0x1  }
0x13: {  	[smem:$0x3FAC] =	sst s0;
	s0 =	simm.s32 @!p1 $0x0  }
0x14: {  	s2 =	sld [smem:$0x3F90];
	s0 =	simm.s32 @p1 $0x1  }
0x15: {  	[smem:$0x3FAD] =	sst s0;
	s0 =	simm.s32 @!p2 $0x0  }
0x16: {  	s3 =	sld [smem:$0x3FDB];
	s0 =	simm.s32 @p2 $0x1  }
0x17: {  	s4 =	simm.s32 $0x1BF5;
	[smem:$0x3FAF] =	sst s0  }
0x18: {  	s0 =	sld [smem:$0x3F92];
	_ =	swait.ge [sflag:s4], $0x0  }
0x19: {  	s7 =	sld [smem:$0x3F93]  }
0x1a: {  	s8 =	sadd.s32 $0xFFFFE003, lr  }
0x1b: {  	s9 =	sadd.s32 $0xFFFFFEF7, lr;
	s5 =	simm.s32 $0xFFFFFFFF;
	p2 =	slt.u32 s8, $0xFFFFF086  }
0x1c: {  	p1 =	slt.u32 s9, $0xF7A;
	s5 =	simm.s32 @!p2 $0x0  }
0x1d: {  	s5 =	simm.s32 @p1 $0x1;
	p0 =	seq.s32 s7, s2  }
0x1e: {  	s7 =	smul.u32 @!p0 $0xF7A, s2;
	p2 =	seq.s32 @!p0 s5, $0x0  }
0x1f: {  	s9 =	smul.u32 $0xF7A, s1;
	s8 =	simm.s32 @!p0 $0x1BF5;
	p2 =	por !p2, p0  }
0x20: {  	[sflag:s8] =	ssyncset.s32 @!p0 $0xFFFFF086;
	s6 =	sadd.s32 @!p0 s3, s7;
	s7 =	simm.s32 @!p0 $0x108  }
0x21: {  	s3 =	sadd.s32 s3, s9;
	s6 =	sadd.s32 @!p0 $0x88, s6;
	s7 =	simm.s32 @p2 $0x1082  }
0x22: {  	[simem:s7], [sflag:s8] =	dma.local @!p0 [hbm:s6], $0xF7A  }
0x23: {  	s9 =	sor.u32 $0xD0000000, s2;
	s6 =	simm.s32 $0x108;
	_ =	swait.ge @!p0 [sflag:s8], $0x0  }
0x24: {  	s3 =	sadd.s32 $0x88, s3;
	s6 =	simm.s32 @!p1 $0x1082;
	[sflag:s4] =	ssyncset.s32 $0xFFFFF086  }
0x25: {  	[simem:s6], [sflag:s4] =	dma.local [hbm:s3], $0xF7A  }
0x26: {  	[smem:$0x3F93] =	sst s1;
	(tag) =	ssettag s2;
	_ =	strace s9  }
0x27: {  	s1 =	sld [smem:$0x3FA3]  }
0x28: {  	s2 =	sld [smem:$0x3FA4]  }
0x29: {  	s4 =	sld [smem:$0x3FA6]  }
0x2a: {  	p0 =	seq.s32 s5, $0x0;
	s5 =	sld [smem:$0x3FA7]  }
0x2b: {  	s6 =	sld [smem:$0x3FA8]  }
0x2c: {  	s7 =	sld [smem:$0x3FA9]  }
0x2d: {  	s3 =	simm.s32 $0x108;
	s8 =	sld [smem:$0x3FAA]  }
0x2e: {  	s3 =	simm.s32 @!p0 $0x1082;
	s9 =	sld [smem:$0x3FAB]  }
0x2f: {  	lr =	sadd.s32 s0, s3;
	s0 =	sld [smem:$0x3FA2]  }
0x30: {  	s3 =	sld [smem:$0x3FA5]  }
0x31: {  	[smem:$0x3FAE] =	sst s10  }
0x32: {  	s10 =	sld [smem:$0x3FAC];
	_ =	sdelay $0x3  }
0x33: {  	p0 =	seq.s32 s10, $0x1;
	s10 =	sld [smem:$0x3FAE];
	_ =	sdelay $0x3  }
0x34: {  	[smem:$0x3FAE] =	sst s10  }
0x35: {  	s10 =	sld [smem:$0x3FAD];
	_ =	sdelay $0x3  }
0x36: {  	p1 =	seq.s32 s10, $0x1;
	s10 =	sld [smem:$0x3FAE];
	_ =	sdelay $0x3  }
0x37: {  	[smem:$0x3FAE] =	sst s10  }
0x38: {  	s10 =	sld [smem:$0x3FAF]  }
0x39: {  	_ = 	snop;
	(pc) =	sbr.ind lr, $3  }
0x3a: {  	_ = 	snop  }
0x3b: {  	_ = 	snop  }
0x3c: {  	p2 =	seq.s32 s10, $0x1;
	s10 =	sld [smem:$0x3FAE]  }
0x3d: {  	_ =	shalt  }
0x3e: {  	_ =	shalt  }
0x3f: {  	_ =	shalt  }
0x40: {  	_ =	shalt  }
0x41: {  	_ =	shalt  }
0x42: {  	_ =	shalt  }
0x43: {  	_ =	shalt  }
0x44: {  	_ =	shalt  }
0x45: {  	_ =	shalt  }
0x46: {  	_ =	shalt  }
0x47: {  	_ =	shalt  }
0x48: {  	_ =	shalt  }
0x49: {  	_ =	shalt  }
0x4a: {  	_ =	shalt  }
0x4b: {  	_ =	shalt  }
0x4c: {  	_ =	shalt  }
0x4d: {  	_ =	shalt  }
0x4e: {  	_ =	shalt  }
0x4f: {  	_ =	shalt  }
0x50: {  	_ =	shalt  }
0x51: {  	_ =	shalt  }
0x52: {  	_ =	shalt  }
0x53: {  	_ =	shalt  }
0x54: {  	_ =	shalt  }
0x55: {  	_ =	shalt  }
0x56: {  	_ =	shalt  }
0x57: {  	_ =	shalt  }
0x58: {  	_ =	shalt  }
0x59: {  	_ =	shalt  }
0x5a: {  	_ =	shalt  }
0x5b: {  	_ =	shalt  }
0x5c: {  	_ =	shalt  }
0x5d: {  	_ =	shalt  }
0x5e: {  	_ =	shalt  }
0x5f: {  	_ =	shalt  }
0x60: {  	_ =	shalt  }
0x61: {  	_ =	shalt  }
0x62: {  	_ =	shalt  }
0x63: {  	_ =	shalt  }
0x64: {  	_ =	shalt  }
0x65: {  	_ =	shalt  }
0x66: {  	_ =	shalt  }
0x67: {  	_ =	shalt  }
0x68: {  	_ =	shalt  }
0x69: {  	_ =	shalt  }
0x6a: {  	_ =	shalt  }
0x6b: {  	_ =	shalt  }
0x6c: {  	_ =	shalt  }
0x6d: {  	_ =	shalt  }
0x6e: {  	_ =	shalt  }
0x6f: {  	_ =	shalt  }
0x70: {  	_ =	shalt  }
0x71: {  	_ =	shalt  }
0x72: {  	_ =	shalt  }
0x73: {  	_ =	shalt  }
0x74: {  	_ =	shalt  }
0x75: {  	_ =	shalt  }
0x76: {  	_ =	shalt  }
0x77: {  	_ =	shalt  }
0x78: {  	_ =	shalt  }
0x79: {  	_ =	shalt  }
0x7a: {  	_ =	shalt  }
0x7b: {  	_ =	shalt  }
0x7c: {  	_ =	shalt  }
0x7d: {  	_ =	shalt  }
0x7e: {  	_ =	shalt  }
0x7f: {  	_ =	shalt  }
0x80: {  	_ =	shalt  }
0x81: {  	_ =	shalt  }
0x82: {  	_ =	shalt  }
0x83: {  	_ =	shalt  }
0x84: {  	_ =	shalt  }
0x85: {  	_ =	shalt  }
0x86: {  	_ =	shalt  }
0x87: {  	_ =	shalt  }
.Lfunc_end0:
.L_simem_size_0:
called_computation.1_lowered:
.L_overlay_start_0:
0x88: {  	s2 =	sld [smem:$0x3FD9]  }
0x89: {  	s3 =	sld [smem:$0x3FFE];
	_ =	sdelay $0x1  }
0x8a: {  	s1 =	srdreg.scid  }
0x8b: {  	s0 =	sand.u32 $0x1, s1  }
0x8c: {  	s17 =	sshll.u32 s0, $0xA;
	s2 =	sadd.s32 s3, s2  }
0x8d: {  	s2 =	sadd.s32 s2, s17  }
0x8e: {  	[smem:$0x3FBA] =	sst s2  }
0x8f: {  	_ = 	snop  }
0x90: {  	s18 =	sld [smem:$0x3FC7];
	(tm) =	ssettm $0x1  }
0x91: {  	s19 =	sld [smem:$0x3FFB];
	_ =	sdelay $0x3  }
0x92: {  	_ =	strace s19  }
0x93: {  	s2 =	sld [smem:$0x3FFC];
	_ =	sdelay $0x3  }
0x94: {  	_ =	strace s2  }
0x95: {  	s2 =	sld [smem:$0x3FFD];
	_ =	sdelay $0x3  }
0x96: {  	_ =	strace s2  }
0x97: {  	_ =	strace $0x8FFFFFFF  }
0x98: {  	s20 =	sld [smem:$0x3FDB];
	_ =	sdelay $0x1  }
0x99: {  	s4 =	simm.s32 $_scs_section_size  }
0x9a: {  	s5 =	simm.s32 $_size__tile_overlayer_lowered;
	s6 =	simm.s32 $_tile_overlayer_lowered  }
0x9b: {  	s7 =	simm.s32 $0x1BFF;
	s21 =	sshll.u32 s6, $0x1;
	s4 =	sadd.s32 s4, s20  }
0x9c: {  	s22 =	simm.s32 $0x0;
	s5 =	sshll.u32 s5, $0x1;
	s6 =	sadd.s32 s21, s4  }
0x9d: {  	[timem:s22], [sflag:s7] =	dma.local [hbm:s6], s5  }
0x9e: {  	_ =	swait.ge [sflag:s7], s5  }
0x9f: {  	s5 =	ssub.s32 $0x0, s5;
	[sflag:s7] =	ssyncset.done $0x0  }
0xa0: {  	[sflag:s7] =	ssyncadd.s32 s5;
	_ =	sdelay $0x1  }
0xa1: {  	s23 =	simm.s32 $0x1B8B  }
0xa2: {  	_ =	swait.ge [sflag:s23], $0x1  }
0xa3: {  	[sflag:s23] =	ssyncset.done $0x0  }
0xa4: {  	[sflag:s23] =	ssyncadd.s32 $0xFFFFFFFF  }
0xa5: {  	s5 =	sld [smem:$0x0]  }
0xa6: {  	s6 =	sand.u32 $0xFFFFFFFE, s1  }
0xa7: {  	p0 =	sne.s32 s1, s6  }
0xa8: {  	s6 =	sshll.u32 @p0 s6, $0xE  }
0xa9: {  	s6 =	sadd.s32 @p0 $0x11B8D, s6;
	s7 =	sshll.u32 @p0 s5, $0x11  }
0xaa: {  	s6 =	sor.u32 @p0 s7, s6  }
0xab: {  	[sflag:s6] =	ssyncadd.remote.s32 @p0 $0x1;
	_ =	sdelay $0x1  }
0xac: {  	s6 =	simm.s32 @p0 $0x1B8D  }
0xad: {  	_ =	swait.eq @p0 [sflag:s6], $0x1  }
0xae: {  	[sflag:s6] =	ssyncadd.s32 @p0 $0xFFFFFFFF  }
0xaf: {  	s7 =	sshll.u32 @!p0 s1, $0xE  }
0xb0: {  	s7 =	sor.u32 @!p0 $0x4000, s7;
	s6 =	simm.s32 @!p0 $0x1B8D  }
0xb1: {  	s5 =	sshll.u32 @!p0 s5, $0x11;
	s7 =	sadd.s32 @!p0 $0x11B8D, s7;
	_ =	swait.eq @!p0 [sflag:s6], $0x1  }
0xb2: {  	s5 =	sor.u32 @!p0 s5, s7;
	[sflag:s6] =	ssyncadd.s32 @!p0 $0xFFFFFFFF  }
0xb3: {  	s25 =	simm.s32 $0x1B8E;
	s24 =	sld [smem:$0x3FFE];
	[sflag:s5] =	ssyncadd.remote.s32 @!p0 $0x1  }
0xb4: {  	s26 =	simm.s32 $execute0_lowered;
	[smem:$0x3FD2] =	sst s25  }
0xb5: {  	s6 =	sshll.u32 s26, $0x1;
	_ =	strace $0x80000049;
	[dreg:$0x1] =	wrdreg $0xFFFFFFFF  }
0xb6: {  	s28 =	simm.s32 $_size_execute0_lowered;
	s4 =	sadd.s32 s4, s6;
	[dreg:$0x0] =	wrdreg $0x0  }
0xb7: {  	s6 =	sshll.u32 s28, $0x1;
	[dreg:$0x2] =	wrdreg s4  }
0xb8: {  	[dreg:$0x3] =	wrdreg s6  }
0xb9: {  	[dreg:$0x4] =	wrdreg $0xC0  }
0xba: {  	_ =	task [dreg:s22], $0x5FFFF  }
0xbb: {  	[dreg:$0x1] =	wrdreg $0xFFFFFFFF  }
0xbc: {  	[dreg:$0x0] =	wrdreg $0x60  }
0xbd: {  	[dreg:$0x2] =	wrdreg s24  }
0xbe: {  	[dreg:$0x3] =	wrdreg s18  }
0xbf: {  	[dreg:$0x4] =	wrdreg $0xA  }
0xc0: {  	_ =	task.clear_ibuf [dreg:s22], $0x5FFFF;
	_ =	strace $0x90000049  }
0xc1: {  	s29 =	simm.s32 $0xA;
	_ =	strace $0x8000004B  }
0xc2: {  	_ =	swait.ge [sflag:s29], $0x1  }
0xc3: {  	[sflag:s29] =	ssyncadd.s32 $0xFFFFFFFF  }
0xc4: {  	_ =	strace $0x9000004B  }
0xc5: {  	_ =	sfence  }
0xc6: {  	s30 =	sld [smem:$0x0];
	_ =	sdelay $0x2  }
0xc7: {  	s31 =	sshll.u32 s1, $0xD;
	s1 =	sshrl.u32 s1, $0x2  }
0xc8: {  	s4 =	sand.u32 $0x4000, s31;
	s1 =	sadd.s32 s1, s30  }
0xc9: {  	s0 =	sor.u32 s4, s0;
	s1 =	sshll.u32 s1, $0x11  }
0xca: {  	s0 =	sor.u32 s1, s0  }
0xcb: {  	s0 =	sadd.s32 $0x8F2B, s0  }
0xcc: {  	[sflag:s0] =	ssyncadd.remote.s32 $0x1  }
0xcd: {  	_ =	sfence.sel $0xFFFF  }
0xce: {  	[dreg:$0x0] =	wrdreg $0xFFFFFFFF;
	(pc) =	sbr.abs _section_cstart, $3  }
0xcf: {  	[dreg:$0x1] =	wrdreg $0xFFFFFFFF  }
0xd0: {  	_ =	task.clear_ibuf [dreg:s22], $0x2FFFF;
	_ =	strace $0x9FFFFFFF  }
0xd1: {  	(tm) =	ssettm $0x7FFFFFFF  }
tec
execute0_lowered:
.L_overlay_start_1:
0x0: {  	(tag) =	ssettag $0x1  }
0x1: {  	s1 =	srdreg.scid  }
0x2: {  	s0 =	stileid.u32;
	s12 =	sand.u32 $0x1, s1  }
0x3: {  	s11 =	rddreg [dreg:$0x0];
	s3 =	sshll.u32 s0, $0xA;
	s4 =	sshll.u32 s12, $0x9  }
0x4: {  	s9 =	rddreg [dreg:$0x1];
	s8 =	sor.u32 s4, s3  }
0x5: {  	s2 =	simm.s32 $0x0;
	s1 =	rddreg [dreg:$0x2];
	s10 =	sshrl.u32 s8, $0x3  }
0x6: {  	s5 =	simm.s32 $0x10000;
	[smem:$0x7FF] =	sst s2;
	s30 =	sadd.s32 s10, s11  }
0x7: {  	_ =	strace $0x8000004A;
	s4 =	simm.s32 $0x1;
	s3 =	sadd.s32 $0xCCE00, s30  }
0x8: {  	[tilespmem:s5], [sflag:$0x1] =	stream.linear.gather [hbm4b:s3+s2], $0x200, $0x38;
	[tilespmem:$0x10400] =	vst v63  }
0x9: {  	_ =	swait.ge [sflag:s4], $0x200  }
0xa: {  	[sflag:s4] =	ssyncset.done $0x0  }
0xb: {  	s7 =	simm.s32 $0x200;
	s6 =	sadd.s32 $0x1191800, s11;
	[sflag:s4] =	ssyncadd.s32 $0xFFFFFE00  }
0xc: {  	[tilespmem:s2], [sflag:$0x1] =	stream.indirect.gather [hbm4b:s6+s7], $0x80, s5, s7, $0xb8;
	[tilespmem:$0x10400] =	vst v63  }
0xd: {  	s8 =	sshll.u32 s8, $0x4;
	_ =	swait.ge [sflag:s4], $0x10000  }
0xe: {  	s13 =	sadd.s32 s8, s11;
	[sflag:s4] =	ssyncset.done $0x0  }
0xf: {  	s8 =	sadd.s32 $0xCD600, s13;
	[sflag:s4] =	ssyncadd.s32 $0xFFFF0000  }
0x10: {  	[hbm4b:s8+s2] =	stream.linear.scatter [tilespmem:s2], [sflag:$0x1], $0x10000, $0x38;
	[tilespmem:$0x10400] =	vst v63  }
0x11: {  	_ =	swait.ge [sflag:s4], $0x10000  }
0x12: {  	s12 =	ssub.s32 $0x2, s12;
	[sflag:s4] =	ssyncset.done $0x0  }
0x13: {  	s9 =	sadd.s32 s9, s10;
	s10 =	simm.s32 $0x10200;
	[sflag:s4] =	ssyncadd.s32 $0xFFFF0000  }
0x14: {  	[tilespmem:s10], [sflag:$0x1] =	stream.linear.gather [hbm4b:s9+s2], $0x200, $0x38;
	[tilespmem:$0x10400] =	vst v63  }
0x15: {  	s14 =	sshrl.u32 s12, $0x1;
	_ =	swait.ge [sflag:s4], $0x200  }
0x16: {  	s14 =	ssub.s32 s12, s14;
	[sflag:s4] =	ssyncset.done $0x0  }
0x17: {  	s11 =	sadd.s32 $0xC8600, s11;
	s31 =	smax.u32 s14, $0x1;
	[sflag:s4] =	ssyncadd.s32 $0xFFFFFE00  }
0x18: {  	[tilespmem:s2], [sflag:$0x1] =	stream.indirect.gather [hbm4b:s11+s7], $0x80, s10, s7, $0xb8;
	[tilespmem:$0x10400] =	vst v63  }
0x19: {  	p0 =	sne.s32 s31, $0x1;
	_ =	swait.ge [sflag:s4], $0x10000  }
.Ltmp0:
0x1a: {  	[sflag:s4] =	ssyncset.done $0x0;
	(pc) =	sbr.rel @!p0 .LBB2_2-.Ltmp0, $4  }
0x1b: {  	s12 =	sadd.s32 $0x10D600, s13;
	[sflag:s4] =	ssyncadd.s32 $0xFFFF0000  }
0x1c: {  	[hbm4b:s12+s2] =	stream.linear.scatter [tilespmem:s2], [sflag:$0x1], $0x10000, $0x38;
	[tilespmem:$0x10400] =	vst v63  }
0x1d: {  	_ =	swait.ge [sflag:s4], $0x10000  }
0x1e: {  	s13 =	sadd.s32 $0xFFFFFFFF, s31;
	[sflag:s4] =	ssyncset.done $0x0  }
.LBB2_1:
0x1f: {  	p0 =	sne.s32 s13, $0x1;
	s13 =	sadd.s32 $0xFFFFFFFF, s13;
	[sflag:s4] =	ssyncadd.s32 $0xFFFF0000  }
0x20: {  	[tilespmem:s5], [sflag:$0x1] =	stream.linear.gather [hbm4b:s3+s2], $0x200, $0x38;
	[tilespmem:$0x10400] =	vst v63  }
0x21: {  	_ =	swait.ge [sflag:s4], $0x200  }
0x22: {  	[sflag:s4] =	ssyncset.done $0x0  }
0x23: {  	[sflag:s4] =	ssyncadd.s32 $0xFFFFFE00  }
0x24: {  	[tilespmem:s2], [sflag:$0x1] =	stream.indirect.gather [hbm4b:s6+s7], $0x80, s5, s7, $0xb8;
	[tilespmem:$0x10400] =	vst v63  }
0x25: {  	_ =	swait.ge [sflag:s4], $0x10000  }
0x26: {  	[sflag:s4] =	ssyncset.done $0x0  }
0x27: {  	[sflag:s4] =	ssyncadd.s32 $0xFFFF0000  }
0x28: {  	[hbm4b:s8+s2] =	stream.linear.scatter [tilespmem:s2], [sflag:$0x1], $0x10000, $0x38;
	[tilespmem:$0x10400] =	vst v63  }
0x29: {  	_ =	swait.ge [sflag:s4], $0x10000  }
0x2a: {  	[sflag:s4] =	ssyncset.done $0x0  }
0x2b: {  	[sflag:s4] =	ssyncadd.s32 $0xFFFF0000  }
0x2c: {  	[tilespmem:s10], [sflag:$0x1] =	stream.linear.gather [hbm4b:s9+s2], $0x200, $0x38;
	[tilespmem:$0x10400] =	vst v63  }
0x2d: {  	_ =	swait.ge [sflag:s4], $0x200  }
0x2e: {  	[sflag:s4] =	ssyncset.done $0x0  }
0x2f: {  	[sflag:s4] =	ssyncadd.s32 $0xFFFFFE00  }
0x30: {  	[tilespmem:s2], [sflag:$0x1] =	stream.indirect.gather [hbm4b:s11+s7], $0x80, s10, s7, $0xb8;
	[tilespmem:$0x10400] =	vst v63  }
0x31: {  	_ =	swait.ge [sflag:s4], $0x10000  }
.Ltmp1:
0x32: {  	[sflag:s4] =	ssyncset.done $0x0;
	(pc) =	sbr.rel @p0 .LBB2_1-.Ltmp1, $4  }
0x33: {  	[sflag:s4] =	ssyncadd.s32 $0xFFFF0000  }
0x34: {  	[hbm4b:s12+s2] =	stream.linear.scatter [tilespmem:s2], [sflag:$0x1], $0x10000, $0x38;
	[tilespmem:$0x10400] =	vst v63  }
0x35: {  	_ =	swait.ge [sflag:s4], $0x10000  }
0x36: {  	[sflag:s4] =	ssyncset.done $0x0  }
.LBB2_2:
0x37: {  	[sflag:s4] =	ssyncadd.s32 $0xFFFF0000  }
0x38: {  	_ =	sfence.sel $0x180000  }
0x39: {  	[bflag:$0x0] =	sbarrier.arrive $0xFFFF  }
0x3a: {  	p0 =	sne.s32 s0, $0x0;
	_ =	strace $0x9000004A  }
0x3b: {  	s0 =	sadd.s32 @!p0 $0x100000, s1;
	[bflag:$0x2] =	sbarrier.arrive $0xFFFF  }
0x3c: {  	[sflag:s0] =	ssyncadd.tile.s32 @!p0 $0x1;
	_ =	shalt  }
.Lfunc_end2:
_tile_overlayer_lowered:
.L_overlay_start_2:
0x3d: {  	(tag) =	ssettag $0x2  }
0x3e: {  	s0 =	rddreg [dreg:$0x0];
	s2 =	stileid.u32  }
0x3f: {  	s1 =	rddreg [dreg:$0x1];
	p0 =	sne.s32 s2, $0x0  }
0x40: {  	s3 =	rddreg [dreg:$0x2];
	[bflag:$0x3] =	sbarrier.arrive $0xFFFF;
	s2 =	simm.s32 @!p0 $0x1C01  }
0x41: {  	[timem:s3], [sflag:s2] =	dma.local @!p0 [hbm:s0], s1  }
0x42: {  	s0 =	simm.s32 @!p0 $0x1  }
0x43: {  	_ =	swait.ge @!p0 [sflag:s0], s1  }
0x44: {  	s1 =	ssub.s32 @!p0 $0x0, s1;
	[sflag:s0] =	ssyncset.done @!p0 $0x0  }
0x45: {  	[sflag:s0] =	ssyncadd.s32 @!p0 s1  }
0x46: {  	[bflag:$0x3] =	sbarrier.arrive $0xFFFF  }
0x47: {  	_ =	shalt  }

</sc_bundles>
